<compile_context>
chip_gen: v7x
topology: tpu7x:2x2x1
jax: 0.10.2.dev20260603
libtpu: 0.0.44.dev20260713+nightly
codegen_flags: <defaults>
</compile_context>

<pallas_src>
import math

import jax
import jax.numpy as jnp
from jax import lax
from jax.experimental import pallas as pl
from jax.experimental.pallas import tpu as pltpu
from jax.experimental.pallas import tpu_sc as plsc

B, N, C = 4, 2048, 768
BN = B * N
CH = C // 2
NW = 32
RPW = BN // NW
GCH = 128
NCH = RPW // GCH
TM = 1024
NPB = N // TM
NBLK = BN // TM
F32 = jnp.float32
BF16 = jnp.bfloat16
U16 = jnp.uint16
U32 = jnp.uint32


def _pack_halves(lo_bf, hi_bf):
    lo = lax.bitcast_convert_type(lo_bf, U16).astype(U32)
    hi = lax.bitcast_convert_type(hi_bf, U16).astype(U32)
    return lax.bitcast_convert_type(lo | (hi << 16), jnp.int32)


def _unpack_f32(pk_i32):
    v = lax.bitcast_convert_type(pk_i32, U32)
    lo = lax.bitcast_convert_type(v << 16, F32)
    hi = lax.bitcast_convert_type(v & U32(0xFFFF0000), F32)
    return lo, hi


def _pack_body(x_ref, xpk_ref):
    xb = x_ref[...].astype(BF16)
    xpk_ref[...] = _pack_halves(xb[:, :CH], xb[:, CH:])


def _sc_gather_body(xpk_hbm, nb_hbm, xg_hbm, xg2_hbm,
                    nb_v, idxf_v, idx2f_v, buf0, buf1,
                    semg, sems0, sems1):
    nc = plsc.get_sparse_core_info().num_cores
    wid = lax.axis_index("s") * nc + lax.axis_index("c")
    base = wid * RPW
    b = base // N
    i0 = base - b * N
    bN = b * N

    pltpu.sync_copy(nb_hbm, nb_v)

    for k in range(RPW // 16):
        c, o = k // (GCH // 16), (k % (GCH // 16)) * 16
        iv = nb_v[pl.ds(i0 + k * 16, 16)]
        i2v = plsc.load_gather(nb_v, [iv])
        idxf_v[c, pl.ds(o, 16)] = iv + bN
        idx2f_v[c, pl.ds(o, 16)] = i2v + bN

    chunks = ([(idxf_v.at[c], xg_hbm, c) for c in range(NCH)]
              + [(idx2f_v.at[c], xg2_hbm, c) for c in range(NCH)])
    bufs = (buf0, buf1)
    sems = (sems0, sems1)
    stores = [None] * len(chunks)
    for j, (idx_ref, out_hbm, c) in enumerate(chunks):
        bi = j & 1
        if j >= 2:
            stores[j - 2].wait()
        pltpu.async_copy(xpk_hbm.at[idx_ref], bufs[bi], semg).wait()
        stores[j] = pltpu.async_copy(
            bufs[bi], out_hbm.at[pl.ds(base + c * GCH, GCH)], sems[bi])
    stores[-2].wait()
    stores[-1].wait()


def _sc_gather(xpk, nb1d):
    mesh = plsc.VectorSubcoreMesh(core_axis_name="c", subcore_axis_name="s")
    f = pl.kernel(
        _sc_gather_body,
        out_type=[jax.ShapeDtypeStruct((BN, CH), jnp.int32),
                  jax.ShapeDtypeStruct((BN, CH), jnp.int32)],
        mesh=mesh,
        scratch_types=[
            pltpu.VMEM((N,), jnp.int32),
            pltpu.VMEM((NCH, GCH), jnp.int32),
            pltpu.VMEM((NCH, GCH), jnp.int32),
            pltpu.VMEM((GCH, CH), jnp.int32),
            pltpu.VMEM((GCH, CH), jnp.int32),
            pltpu.SemaphoreType.DMA,
            pltpu.SemaphoreType.DMA,
            pltpu.SemaphoreType.DMA,
        ],
        compiler_params=pltpu.CompilerParams(needs_layout_passes=False),
    )
    return f(xpk, nb1d)


def _main_body(xpk_ref, xg_ref, xg2_ref, wq_ref, wk_ref, wv_ref, wo_ref,
               bq_ref, bk_ref, bv_ref, bo_ref, rb_ref, out_ref,
               m_s, wvo_s, u_s, w_s, bvo_s, c1_s, cs_s, so_s, e_s):
    p = pl.program_id(0)
    i = pl.program_id(1)
    b = i // NPB

    @pl.when((p == 0) & (i == 0))
    def _weights():
        wq = wq_ref[...].astype(BF16)
        wk = wk_ref[...].astype(BF16)
        wo = wo_ref[...].astype(BF16)
        m_s[...] = lax.dot_general(
            wq, wk, (((0,), (0,)), ((), ())),
            preferred_element_type=F32).astype(BF16)
        wvo_s[...] = lax.dot_general(
            wo, wv_ref[...].astype(BF16), (((1,), (0,)), ((), ())),
            preferred_element_type=F32).astype(BF16)
        u_s[...] = lax.dot_general(
            bk_ref[...].astype(BF16), wq, (((1,), (0,)), ((), ())),
            preferred_element_type=F32)
        w_s[...] = lax.dot_general(
            bq_ref[...].astype(BF16), wk, (((1,), (0,)), ((), ())),
            preferred_element_type=F32)
        bvo_s[...] = lax.dot_general(
            bv_ref[...].astype(BF16), wo, (((1,), (1,)), ((), ())),
            preferred_element_type=F32)
        c1_s[...] = (jnp.sum(bq_ref[...] * bk_ref[...], axis=1,
                             keepdims=True) + rb_ref[...])
        cs_s[...] = jnp.zeros_like(cs_s)

    @pl.when(p == 0)
    def _scores():
        xlo32, xhi32 = _unpack_f32(xpk_ref[...])
        glo32, ghi32 = _unpack_f32(xg_ref[...])
        cs_s[pl.ds(b, 1), :CH] += jnp.sum(glo32, axis=0, keepdims=True)
        cs_s[pl.ds(b, 1), CH:] += jnp.sum(ghi32, axis=0, keepdims=True)
        pm = (lax.dot_general(xlo32.astype(BF16), m_s[:CH, :],
                              (((1,), (0,)), ((), ())),
                              preferred_element_type=F32)
              + lax.dot_general(xhi32.astype(BF16), m_s[CH:, :],
                                (((1,), (0,)), ((), ())),
                                preferred_element_type=F32)
              + w_s[...])
        rd = (pm[:, :CH] * glo32 + pm[:, CH:] * ghi32
              + xlo32 * u_s[:, :CH] + xhi32 * u_s[:, CH:])
        s = jnp.sum(rd, axis=1, keepdims=True) + c1_s[0, 0]
        e_s[pl.ds(i * TM, TM), :] = jnp.exp(
            jnp.minimum(s * (1.0 / math.sqrt(C)), 80.0))

    @pl.when((p == 1) & (i == 0))
    def _so():
        so_s[...] = lax.dot_general(
            cs_s[...].astype(BF16), wvo_s[...], (((1,), (1,)), ((), ())),
            preferred_element_type=F32) + float(N) * bvo_s[...]

    @pl.when(p == 1)
    def _combine():
        g2lo32, g2hi32 = _unpack_f32(xg2_ref[...])
        g2o = (lax.dot_general(g2lo32.astype(BF16), wvo_s[:, :CH],
                               (((1,), (1,)), ((), ())),
                               preferred_element_type=F32)
               + lax.dot_general(g2hi32.astype(BF16), wvo_s[:, CH:],
                                 (((1,), (1,)), ((), ())),
                                 preferred_element_type=F32)
               + bvo_s[...])
        e = e_s[pl.ds(i * TM, TM), :]
        z = e + (N - 1.0)
        sob = so_s[pl.ds(b, 1), :]
        out_ref[...] = (sob + (e - 1.0) * g2o) / z + bo_ref[...]


def _pin2(shape):
    return pl.BlockSpec(shape, lambda p, i: (0, 0))


def kernel(x, neighbors, Wq, bq, Wk, bk, Wv, bv, relative_bias, Wo, bo):
    x2d = x.reshape(BN, C)
    nb1d = neighbors[:, 0]

    xpk = pl.pallas_call(
        _pack_body,
        grid=(NBLK,),
        in_specs=[pl.BlockSpec((TM, C), lambda i: (i, 0))],
        out_specs=pl.BlockSpec((TM, CH), lambda i: (i, 0)),
        out_shape=jax.ShapeDtypeStruct((BN, CH), jnp.int32),
        compiler_params=pltpu.CompilerParams(
            dimension_semantics=("arbitrary",)),
    )(x2d)

    xg, xg2 = _sc_gather(xpk, nb1d)

    row_p0 = pl.BlockSpec(
        (TM, CH), lambda p, i: (jnp.where(p == 0, i, NBLK - 1), 0))
    row_p1pk = pl.BlockSpec(
        (TM, CH), lambda p, i: (jnp.where(p == 0, 0, i), 0))
    out_p1 = pl.BlockSpec(
        (TM, C), lambda p, i: (jnp.where(p == 0, 0, i), 0))
    out2d = pl.pallas_call(
        _main_body,
        grid=(2, NBLK),
        in_specs=[row_p0, row_p0, row_p1pk,
                  _pin2((C, C)), _pin2((C, C)), _pin2((C, C)), _pin2((C, C)),
                  _pin2((1, C)), _pin2((1, C)), _pin2((1, C)), _pin2((1, C)),
                  _pin2((1, 1))],
        out_specs=out_p1,
        out_shape=jax.ShapeDtypeStruct((BN, C), F32),
        scratch_shapes=[pltpu.VMEM((C, C), BF16), pltpu.VMEM((C, C), BF16),
                        pltpu.VMEM((1, C), F32), pltpu.VMEM((1, C), F32),
                        pltpu.VMEM((1, C), F32), pltpu.VMEM((1, 1), F32),
                        pltpu.VMEM((B, C), F32), pltpu.VMEM((B, C), F32),
                        pltpu.VMEM((BN, 1), F32)],
        compiler_params=pltpu.CompilerParams(
            dimension_semantics=("arbitrary", "arbitrary")),
    )(xpk, xg, xg2, Wq, Wk, Wv, Wo, bq.reshape(1, C), bk.reshape(1, C),
      bv.reshape(1, C), bo.reshape(1, C), relative_bias)

    return out2d.reshape(B, N, C)

# --- scband reference (transcript-rebuilt; emitter-appended) ---
"""Pipeline reference for scband-neighborhood-attention-block-2834678415876 (READ-ONLY COPY).

The authoritative reference and input builder live on the scoring server;
editing this copy changes nothing except your own understanding.
"""

import jax, jax.numpy as jnp
import numpy as np


def setup_inputs(seed: int = 0) -> dict:
    key = jax.random.key(seed)
    ks = jax.random.split(key, 12)
    B, N, C = 4, 2048, 768
    num_neighbors = 1
    scale = 0.02
    x = jax.random.normal(ks[0], (B, N, C), dtype=jnp.float32)
    neighbors = jax.random.randint(ks[1], (N, num_neighbors), 0, N, dtype=jnp.int32)
    Wq = jax.random.normal(ks[2], (C, C), dtype=jnp.float32) * scale
    bq = jax.random.normal(ks[3], (C,), dtype=jnp.float32) * scale
    Wk = jax.random.normal(ks[4], (C, C), dtype=jnp.float32) * scale
    bk = jax.random.normal(ks[5], (C,), dtype=jnp.float32) * scale
    Wv = jax.random.normal(ks[6], (C, C), dtype=jnp.float32) * scale
    bv = jax.random.normal(ks[7], (C,), dtype=jnp.float32) * scale
    relative_bias = jnp.zeros((num_neighbors, num_neighbors), dtype=jnp.float32)
    Wo = jax.random.normal(ks[8], (C, C), dtype=jnp.float32) * scale
    bo = jax.random.normal(ks[9], (C,), dtype=jnp.float32) * scale
    return {"x": x, "neighbors": neighbors, "Wq": Wq, "bq": bq, "Wk": Wk, "bk": bk, "Wv": Wv, "bv": bv, "relative_bias": relative_bias, "Wo": Wo, "bo": bo}


def reference(x, neighbors, Wq, bq, Wk, bk, Wv, bv, relative_bias, Wo, bo):
    B, N, C = x.shape
    Q = x @ Wq.T + bq
    K = x @ Wk.T + bk
    V = x @ Wv.T + bv
    # num_neighbors == 1: neighbors[i] is a single index per query position.
    idx = neighbors[:, 0]                        # [N]
    K_nb = jnp.take(K, idx, axis=1)              # [B, N, C] gathered neighbor keys
    # per-position score: Q[:, i] . K[:, idx[i]] + relative_bias (broadcast of [1,1])
    s = jnp.einsum('bic,bic->bi', Q, K_nb) + relative_bias[0, 0]  # [B, N]
    # scatter into dense [B, N, N] score matrix; unassigned entries stay 0 (faithful)
    scores = jnp.zeros((B, N, N), dtype=x.dtype).at[:, jnp.arange(N), idx].set(s)
    # V_neighbors [B, N, 1, C] viewed as [B, N, C]
    V_nb = jnp.take(V, idx, axis=1)              # [B, N, C]
    probs = jax.nn.softmax(scores / (C ** 0.5), axis=-1)  # softmax over full N incl. zeros
    attended = jnp.einsum('bin,bnc->bic', probs, V_nb)
    out = attended @ Wo.T + bo
    return out

if __name__ == "__main__":
    import jax
    _d = setup_inputs()
    print(jax.jit(kernel)(*tuple(_d.values())))

</pallas_src>

<mosaic_0001>
#map = affine_map<(d0, d1) -> (0, 0)>
#map1 = affine_map<(d0, d1) -> (0)>
module attributes {stable_mosaic.version = 14 : i64} {
  func.func @_sc_gather_body(%arg0: i32, %arg1: i32, %arg2: memref<8192x384xi32, #tpu.memory_space<hbm>>, %arg3: memref<2048xi32, #tpu.memory_space<hbm>>, %arg4: memref<8192x384xi32, #tpu.memory_space<hbm>>, %arg5: memref<8192x384xi32, #tpu.memory_space<hbm>>, %arg6: memref<2048xi32, #tpu.memory_space<vmem>>, %arg7: memref<2x128xi32, #tpu.memory_space<vmem>>, %arg8: memref<2x128xi32, #tpu.memory_space<vmem>>, %arg9: memref<128x384xi32, #tpu.memory_space<vmem>>, %arg10: memref<128x384xi32, #tpu.memory_space<vmem>>, %arg11: memref<!tpu.dma_semaphore, #tpu.memory_space<semaphore_mem>>, %arg12: memref<!tpu.dma_semaphore, #tpu.memory_space<semaphore_mem>>, %arg13: memref<!tpu.dma_semaphore, #tpu.memory_space<semaphore_mem>>) attributes {dimension_semantics = [#tpu.dimension_semantics<core_parallel>, #tpu.dimension_semantics<subcore_parallel>], iteration_bounds = array<i64: 2, 16>, scalar_prefetch = 0 : i64, scratch_operands = 8 : i64, tpu.core_type = #tpu.core_type<sc_vector_subcore>, window_params = [{transform_indices = #map}, {transform_indices = #map1}, {transform_indices = #map}, {transform_indices = #map}]} {
    %mul3A = arith.constant 2 : i32
    %mul3A_0 = arith.muli %arg1, %mul3A : i32
    %add3A = arith.addi %mul3A_0, %arg0 : i32
    %mul3A_1 = arith.constant 256 : i32
    %mul3A_2 = arith.muli %add3A, %mul3A_1 : i32
    %jit3A = arith.constant 2048 : i32
    %div3A = arith.divsi %mul3A_2, %jit3A : i32
    %sign3A = arith.constant 0 : i32
    %sign3A_3 = arith.cmpi sgt, %mul3A_2, %sign3A : i32
    %sign3A_4 = arith.extui %sign3A_3 : i1 to i32
    %sign3A_5 = arith.constant 0 : i32
    %sign3A_6 = arith.cmpi slt, %mul3A_2, %sign3A_5 : i32
    %sign3A_7 = arith.extui %sign3A_6 : i1 to i32
    %sign3A_8 = arith.subi %sign3A_4, %sign3A_7 : i32
    %sign3A_9 = arith.constant 0 : i32
    %sign3A_10 = arith.cmpi sgt, %jit3A, %sign3A_9 : i32
    %sign3A_11 = arith.extui %sign3A_10 : i1 to i32
    %sign3A_12 = arith.constant 0 : i32
    %sign3A_13 = arith.cmpi slt, %jit3A, %sign3A_12 : i32
    %sign3A_14 = arith.extui %sign3A_13 : i1 to i32
    %sign3A_15 = arith.subi %sign3A_11, %sign3A_14 : i32
    %ne3A = arith.cmpi ne, %sign3A_8, %sign3A_15 : i32
    %rem3A = arith.remsi %mul3A_2, %jit3A : i32
    %ne3A_16 = arith.constant 0 : i32
    %ne3A_17 = arith.cmpi ne, %rem3A, %ne3A_16 : i32
    %and3A = arith.andi %ne3A, %ne3A_17 : i1
    %sub3A = arith.constant 1 : i32
    %sub3A_18 = arith.subi %div3A, %sub3A : i32
    %select_n3A = arith.select %and3A, %sub3A_18, %div3A : i32
    %mul3A_19 = arith.constant 2048 : i32
    %mul3A_20 = arith.muli %select_n3A, %mul3A_19 : i32
    %sub3A_21 = arith.subi %mul3A_2, %mul3A_20 : i32
    %mul3A_22 = arith.constant 2048 : i32
    %mul3A_23 = arith.muli %select_n3A, %mul3A_22 : i32
    "tpu.region"() ({
      %run_scoped3A = tpu.sem_alloc : memref<!tpu.dma_semaphore, #tpu.memory_space<semaphore_mem>>
      tpu.enqueue_dma source(%arg3 : memref<2048xi32, #tpu.memory_space<hbm>>) target(%arg6 : memref<2048xi32, #tpu.memory_space<vmem>>) target_semaphore(%run_scoped3A : memref<!tpu.dma_semaphore, #tpu.memory_space<semaphore_mem>>)
      tpu.wait_dma2 semaphore(%run_scoped3A : memref<!tpu.dma_semaphore, #tpu.memory_space<semaphore_mem>>) src(%arg3 : memref<2048xi32, #tpu.memory_space<hbm>>) dst(%arg6 : memref<2048xi32, #tpu.memory_space<vmem>>)
      tpu.yield
    }) : () -> ()
    %add3A_24 = arith.constant 0 : i32
    %add3A_25 = arith.addi %sub3A_21, %add3A_24 : i32
    %get3A = arith.index_cast %add3A_25 : i32 to index
    %get3A_26 = tpu.vector_load %arg6[%get3A] {strides = array<i32>} : memref<2048xi32, #tpu.memory_space<vmem>>, vector<16xi32>,
    %gather3A = tpu.vector_load_idx %arg6[%get3A_26] : memref<2048xi32, #tpu.memory_space<vmem>>[vector<16xi32>], vector<16xi32>,
    %add3A_27 = vector.broadcast %mul3A_23 : i32 to vector<16xi32>
    %add3A_28 = arith.addi %get3A_26, %add3A_27 : vector<16xi32>
    %swap3A = arith.constant 0 : i32
    %swap3A_29 = arith.index_cast %swap3A : i32 to index
    %swap3A_30 = arith.constant 0 : index
    %swap3A_31 = tpu.vector_load %arg7[%swap3A_29, %swap3A_30] {strides = array<i32>} : memref<2x128xi32, #tpu.memory_space<vmem>>, vector<16xi32>,
    tpu.vector_store %arg7[%swap3A_29, %swap3A_30], %add3A_28 {strides = array<i32>} : memref<2x128xi32, #tpu.memory_space<vmem>>, vector<16xi32>,
    %add3A_32 = vector.broadcast %mul3A_23 : i32 to vector<16xi32>
    %add3A_33 = arith.addi %gather3A, %add3A_32 : vector<16xi32>
    %swap3A_34 = arith.constant 0 : i32
    %swap3A_35 = arith.index_cast %swap3A_34 : i32 to index
    %swap3A_36 = arith.constant 0 : index
    %swap3A_37 = tpu.vector_load %arg8[%swap3A_35, %swap3A_36] {strides = array<i32>} : memref<2x128xi32, #tpu.memory_space<vmem>>, vector<16xi32>,
    tpu.vector_store %arg8[%swap3A_35, %swap3A_36], %add3A_33 {strides = array<i32>} : memref<2x128xi32, #tpu.memory_space<vmem>>, vector<16xi32>,
    %add3A_38 = arith.constant 16 : i32
    %add3A_39 = arith.addi %sub3A_21, %add3A_38 : i32
    %get3A_40 = arith.index_cast %add3A_39 : i32 to index
    %get3A_41 = tpu.vector_load %arg6[%get3A_40] {strides = array<i32>} : memref<2048xi32, #tpu.memory_space<vmem>>, vector<16xi32>,
    %gather3A_42 = tpu.vector_load_idx %arg6[%get3A_41] : memref<2048xi32, #tpu.memory_space<vmem>>[vector<16xi32>], vector<16xi32>,
    %add3A_43 = vector.broadcast %mul3A_23 : i32 to vector<16xi32>
    %add3A_44 = arith.addi %get3A_41, %add3A_43 : vector<16xi32>
    %swap3A_45 = arith.constant 0 : i32
    %swap3A_46 = arith.index_cast %swap3A_45 : i32 to index
    %swap3A_47 = arith.constant 16 : index
    %swap3A_48 = tpu.vector_load %arg7[%swap3A_46, %swap3A_47] {strides = array<i32>} : memref<2x128xi32, #tpu.memory_space<vmem>>, vector<16xi32>,
    tpu.vector_store %arg7[%swap3A_46, %swap3A_47], %add3A_44 {strides = array<i32>} : memref<2x128xi32, #tpu.memory_space<vmem>>, vector<16xi32>,
    %add3A_49 = vector.broadcast %mul3A_23 : i32 to vector<16xi32>
    %add3A_50 = arith.addi %gather3A_42, %add3A_49 : vector<16xi32>
    %swap3A_51 = arith.constant 0 : i32
    %swap3A_52 = arith.index_cast %swap3A_51 : i32 to index
    %swap3A_53 = arith.constant 16 : index
    %swap3A_54 = tpu.vector_load %arg8[%swap3A_52, %swap3A_53] {strides = array<i32>} : memref<2x128xi32, #tpu.memory_space<vmem>>, vector<16xi32>,
    tpu.vector_store %arg8[%swap3A_52, %swap3A_53], %add3A_50 {strides = array<i32>} : memref<2x128xi32, #tpu.memory_space<vmem>>, vector<16xi32>,
    %add3A_55 = arith.constant 32 : i32
    %add3A_56 = arith.addi %sub3A_21, %add3A_55 : i32
    %get3A_57 = arith.index_cast %add3A_56 : i32 to index
    %get3A_58 = tpu.vector_load %arg6[%get3A_57] {strides = array<i32>} : memref<2048xi32, #tpu.memory_space<vmem>>, vector<16xi32>,
    %gather3A_59 = tpu.vector_load_idx %arg6[%get3A_58] : memref<2048xi32, #tpu.memory_space<vmem>>[vector<16xi32>], vector<16xi32>,
    %add3A_60 = vector.broadcast %mul3A_23 : i32 to vector<16xi32>
    %add3A_61 = arith.addi %get3A_58, %add3A_60 : vector<16xi32>
    %swap3A_62 = arith.constant 0 : i32
    %swap3A_63 = arith.index_cast %swap3A_62 : i32 to index
    %swap3A_64 = arith.constant 32 : index
    %swap3A_65 = tpu.vector_load %arg7[%swap3A_63, %swap3A_64] {strides = array<i32>} : memref<2x128xi32, #tpu.memory_space<vmem>>, vector<16xi32>,
    tpu.vector_store %arg7[%swap3A_63, %swap3A_64], %add3A_61 {strides = array<i32>} : memref<2x128xi32, #tpu.memory_space<vmem>>, vector<16xi32>,
    %add3A_66 = vector.broadcast %mul3A_23 : i32 to vector<16xi32>
    %add3A_67 = arith.addi %gather3A_59, %add3A_66 : vector<16xi32>
    %swap3A_68 = arith.constant 0 : i32
    %swap3A_69 = arith.index_cast %swap3A_68 : i32 to index
    %swap3A_70 = arith.constant 32 : index
    %swap3A_71 = tpu.vector_load %arg8[%swap3A_69, %swap3A_70] {strides = array<i32>} : memref<2x128xi32, #tpu.memory_space<vmem>>, vector<16xi32>,
    tpu.vector_store %arg8[%swap3A_69, %swap3A_70], %add3A_67 {strides = array<i32>} : memref<2x128xi32, #tpu.memory_space<vmem>>, vector<16xi32>,
    %add3A_72 = arith.constant 48 : i32
    %add3A_73 = arith.addi %sub3A_21, %add3A_72 : i32
    %get3A_74 = arith.index_cast %add3A_73 : i32 to index
    %get3A_75 = tpu.vector_load %arg6[%get3A_74] {strides = array<i32>} : memref<2048xi32, #tpu.memory_space<vmem>>, vector<16xi32>,
    %gather3A_76 = tpu.vector_load_idx %arg6[%get3A_75] : memref<2048xi32, #tpu.memory_space<vmem>>[vector<16xi32>], vector<16xi32>,
    %add3A_77 = vector.broadcast %mul3A_23 : i32 to vector<16xi32>
    %add3A_78 = arith.addi %get3A_75, %add3A_77 : vector<16xi32>
    %swap3A_79 = arith.constant 0 : i32
    %swap3A_80 = arith.index_cast %swap3A_79 : i32 to index
    %swap3A_81 = arith.constant 48 : index
    %swap3A_82 = tpu.vector_load %arg7[%swap3A_80, %swap3A_81] {strides = array<i32>} : memref<2x128xi32, #tpu.memory_space<vmem>>, vector<16xi32>,
    tpu.vector_store %arg7[%swap3A_80, %swap3A_81], %add3A_78 {strides = array<i32>} : memref<2x128xi32, #tpu.memory_space<vmem>>, vector<16xi32>,
    %add3A_83 = vector.broadcast %mul3A_23 : i32 to vector<16xi32>
    %add3A_84 = arith.addi %gather3A_76, %add3A_83 : vector<16xi32>
    %swap3A_85 = arith.constant 0 : i32
    %swap3A_86 = arith.index_cast %swap3A_85 : i32 to index
    %swap3A_87 = arith.constant 48 : index
    %swap3A_88 = tpu.vector_load %arg8[%swap3A_86, %swap3A_87] {strides = array<i32>} : memref<2x128xi32, #tpu.memory_space<vmem>>, vector<16xi32>,
    tpu.vector_store %arg8[%swap3A_86, %swap3A_87], %add3A_84 {strides = array<i32>} : memref<2x128xi32, #tpu.memory_space<vmem>>, vector<16xi32>,
    %add3A_89 = arith.constant 64 : i32
    %add3A_90 = arith.addi %sub3A_21, %add3A_89 : i32
    %get3A_91 = arith.index_cast %add3A_90 : i32 to index
    %get3A_92 = tpu.vector_load %arg6[%get3A_91] {strides = array<i32>} : memref<2048xi32, #tpu.memory_space<vmem>>, vector<16xi32>,
    %gather3A_93 = tpu.vector_load_idx %arg6[%get3A_92] : memref<2048xi32, #tpu.memory_space<vmem>>[vector<16xi32>], vector<16xi32>,
    %add3A_94 = vector.broadcast %mul3A_23 : i32 to vector<16xi32>
    %add3A_95 = arith.addi %get3A_92, %add3A_94 : vector<16xi32>
    %swap3A_96 = arith.constant 0 : i32
    %swap3A_97 = arith.index_cast %swap3A_96 : i32 to index
    %swap3A_98 = arith.constant 64 : index
    %swap3A_99 = tpu.vector_load %arg7[%swap3A_97, %swap3A_98] {strides = array<i32>} : memref<2x128xi32, #tpu.memory_space<vmem>>, vector<16xi32>,
    tpu.vector_store %arg7[%swap3A_97, %swap3A_98], %add3A_95 {strides = array<i32>} : memref<2x128xi32, #tpu.memory_space<vmem>>, vector<16xi32>,
    %add3A_100 = vector.broadcast %mul3A_23 : i32 to vector<16xi32>
    %add3A_101 = arith.addi %gather3A_93, %add3A_100 : vector<16xi32>
    %swap3A_102 = arith.constant 0 : i32
    %swap3A_103 = arith.index_cast %swap3A_102 : i32 to index
    %swap3A_104 = arith.constant 64 : index
    %swap3A_105 = tpu.vector_load %arg8[%swap3A_103, %swap3A_104] {strides = array<i32>} : memref<2x128xi32, #tpu.memory_space<vmem>>, vector<16xi32>,
    tpu.vector_store %arg8[%swap3A_103, %swap3A_104], %add3A_101 {strides = array<i32>} : memref<2x128xi32, #tpu.memory_space<vmem>>, vector<16xi32>,
    %add3A_106 = arith.constant 80 : i32
    %add3A_107 = arith.addi %sub3A_21, %add3A_106 : i32
    %get3A_108 = arith.index_cast %add3A_107 : i32 to index
    %get3A_109 = tpu.vector_load %arg6[%get3A_108] {strides = array<i32>} : memref<2048xi32, #tpu.memory_space<vmem>>, vector<16xi32>,
    %gather3A_110 = tpu.vector_load_idx %arg6[%get3A_109] : memref<2048xi32, #tpu.memory_space<vmem>>[vector<16xi32>], vector<16xi32>,
    %add3A_111 = vector.broadcast %mul3A_23 : i32 to vector<16xi32>
    %add3A_112 = arith.addi %get3A_109, %add3A_111 : vector<16xi32>
    %swap3A_113 = arith.constant 0 : i32
    %swap3A_114 = arith.index_cast %swap3A_113 : i32 to index
    %swap3A_115 = arith.constant 80 : index
    %swap3A_116 = tpu.vector_load %arg7[%swap3A_114, %swap3A_115] {strides = array<i32>} : memref<2x128xi32, #tpu.memory_space<vmem>>, vector<16xi32>,
    tpu.vector_store %arg7[%swap3A_114, %swap3A_115], %add3A_112 {strides = array<i32>} : memref<2x128xi32, #tpu.memory_space<vmem>>, vector<16xi32>,
    %add3A_117 = vector.broadcast %mul3A_23 : i32 to vector<16xi32>
    %add3A_118 = arith.addi %gather3A_110, %add3A_117 : vector<16xi32>
    %swap3A_119 = arith.constant 0 : i32
    %swap3A_120 = arith.index_cast %swap3A_119 : i32 to index
    %swap3A_121 = arith.constant 80 : index
    %swap3A_122 = tpu.vector_load %arg8[%swap3A_120, %swap3A_121] {strides = array<i32>} : memref<2x128xi32, #tpu.memory_space<vmem>>, vector<16xi32>,
    tpu.vector_store %arg8[%swap3A_120, %swap3A_121], %add3A_118 {strides = array<i32>} : memref<2x128xi32, #tpu.memory_space<vmem>>, vector<16xi32>,
    %add3A_123 = arith.constant 96 : i32
    %add3A_124 = arith.addi %sub3A_21, %add3A_123 : i32
    %get3A_125 = arith.index_cast %add3A_124 : i32 to index
    %get3A_126 = tpu.vector_load %arg6[%get3A_125] {strides = array<i32>} : memref<2048xi32, #tpu.memory_space<vmem>>, vector<16xi32>,
    %gather3A_127 = tpu.vector_load_idx %arg6[%get3A_126] : memref<2048xi32, #tpu.memory_space<vmem>>[vector<16xi32>], vector<16xi32>,
    %add3A_128 = vector.broadcast %mul3A_23 : i32 to vector<16xi32>
    %add3A_129 = arith.addi %get3A_126, %add3A_128 : vector<16xi32>
    %swap3A_130 = arith.constant 0 : i32
    %swap3A_131 = arith.index_cast %swap3A_130 : i32 to index
    %swap3A_132 = arith.constant 96 : index
    %swap3A_133 = tpu.vector_load %arg7[%swap3A_131, %swap3A_132] {strides = array<i32>} : memref<2x128xi32, #tpu.memory_space<vmem>>, vector<16xi32>,
    tpu.vector_store %arg7[%swap3A_131, %swap3A_132], %add3A_129 {strides = array<i32>} : memref<2x128xi32, #tpu.memory_space<vmem>>, vector<16xi32>,
    %add3A_134 = vector.broadcast %mul3A_23 : i32 to vector<16xi32>
    %add3A_135 = arith.addi %gather3A_127, %add3A_134 : vector<16xi32>
    %swap3A_136 = arith.constant 0 : i32
    %swap3A_137 = arith.index_cast %swap3A_136 : i32 to index
    %swap3A_138 = arith.constant 96 : index
    %swap3A_139 = tpu.vector_load %arg8[%swap3A_137, %swap3A_138] {strides = array<i32>} : memref<2x128xi32, #tpu.memory_space<vmem>>, vector<16xi32>,
    tpu.vector_store %arg8[%swap3A_137, %swap3A_138], %add3A_135 {strides = array<i32>} : memref<2x128xi32, #tpu.memory_space<vmem>>, vector<16xi32>,
    %add3A_140 = arith.constant 112 : i32
    %add3A_141 = arith.addi %sub3A_21, %add3A_140 : i32
    %get3A_142 = arith.index_cast %add3A_141 : i32 to index
    %get3A_143 = tpu.vector_load %arg6[%get3A_142] {strides = array<i32>} : memref<2048xi32, #tpu.memory_space<vmem>>, vector<16xi32>,
    %gather3A_144 = tpu.vector_load_idx %arg6[%get3A_143] : memref<2048xi32, #tpu.memory_space<vmem>>[vector<16xi32>], vector<16xi32>,
    %add3A_145 = vector.broadcast %mul3A_23 : i32 to vector<16xi32>
    %add3A_146 = arith.addi %get3A_143, %add3A_145 : vector<16xi32>
    %swap3A_147 = arith.constant 0 : i32
    %swap3A_148 = arith.index_cast %swap3A_147 : i32 to index
    %swap3A_149 = arith.constant 112 : index
    %swap3A_150 = tpu.vector_load %arg7[%swap3A_148, %swap3A_149] {strides = array<i32>} : memref<2x128xi32, #tpu.memory_space<vmem>>, vector<16xi32>,
    tpu.vector_store %arg7[%swap3A_148, %swap3A_149], %add3A_146 {strides = array<i32>} : memref<2x128xi32, #tpu.memory_space<vmem>>, vector<16xi32>,
    %add3A_151 = vector.broadcast %mul3A_23 : i32 to vector<16xi32>
    %add3A_152 = arith.addi %gather3A_144, %add3A_151 : vector<16xi32>
    %swap3A_153 = arith.constant 0 : i32
    %swap3A_154 = arith.index_cast %swap3A_153 : i32 to index
    %swap3A_155 = arith.constant 112 : index
    %swap3A_156 = tpu.vector_load %arg8[%swap3A_154, %swap3A_155] {strides = array<i32>} : memref<2x128xi32, #tpu.memory_space<vmem>>, vector<16xi32>,
    tpu.vector_store %arg8[%swap3A_154, %swap3A_155], %add3A_152 {strides = array<i32>} : memref<2x128xi32, #tpu.memory_space<vmem>>, vector<16xi32>,
    %add3A_157 = arith.constant 128 : i32
    %add3A_158 = arith.addi %sub3A_21, %add3A_157 : i32
    %get3A_159 = arith.index_cast %add3A_158 : i32 to index
    %get3A_160 = tpu.vector_load %arg6[%get3A_159] {strides = array<i32>} : memref<2048xi32, #tpu.memory_space<vmem>>, vector<16xi32>,
    %gather3A_161 = tpu.vector_load_idx %arg6[%get3A_160] : memref<2048xi32, #tpu.memory_space<vmem>>[vector<16xi32>], vector<16xi32>,
    %add3A_162 = vector.broadcast %mul3A_23 : i32 to vector<16xi32>
    %add3A_163 = arith.addi %get3A_160, %add3A_162 : vector<16xi32>
    %swap3A_164 = arith.constant 1 : i32
    %swap3A_165 = arith.index_cast %swap3A_164 : i32 to index
    %swap3A_166 = arith.constant 0 : index
    %swap3A_167 = tpu.vector_load %arg7[%swap3A_165, %swap3A_166] {strides = array<i32>} : memref<2x128xi32, #tpu.memory_space<vmem>>, vector<16xi32>,
    tpu.vector_store %arg7[%swap3A_165, %swap3A_166], %add3A_163 {strides = array<i32>} : memref<2x128xi32, #tpu.memory_space<vmem>>, vector<16xi32>,
    %add3A_168 = vector.broadcast %mul3A_23 : i32 to vector<16xi32>
    %add3A_169 = arith.addi %gather3A_161, %add3A_168 : vector<16xi32>
    %swap3A_170 = arith.constant 1 : i32
    %swap3A_171 = arith.index_cast %swap3A_170 : i32 to index
    %swap3A_172 = arith.constant 0 : index
    %swap3A_173 = tpu.vector_load %arg8[%swap3A_171, %swap3A_172] {strides = array<i32>} : memref<2x128xi32, #tpu.memory_space<vmem>>, vector<16xi32>,
    tpu.vector_store %arg8[%swap3A_171, %swap3A_172], %add3A_169 {strides = array<i32>} : memref<2x128xi32, #tpu.memory_space<vmem>>, vector<16xi32>,
    %add3A_174 = arith.constant 144 : i32
    %add3A_175 = arith.addi %sub3A_21, %add3A_174 : i32
    %get3A_176 = arith.index_cast %add3A_175 : i32 to index
    %get3A_177 = tpu.vector_load %arg6[%get3A_176] {strides = array<i32>} : memref<2048xi32, #tpu.memory_space<vmem>>, vector<16xi32>,
    %gather3A_178 = tpu.vector_load_idx %arg6[%get3A_177] : memref<2048xi32, #tpu.memory_space<vmem>>[vector<16xi32>], vector<16xi32>,
    %add3A_179 = vector.broadcast %mul3A_23 : i32 to vector<16xi32>
    %add3A_180 = arith.addi %get3A_177, %add3A_179 : vector<16xi32>
    %swap3A_181 = arith.constant 1 : i32
    %swap3A_182 = arith.index_cast %swap3A_181 : i32 to index
    %swap3A_183 = arith.constant 16 : index
    %swap3A_184 = tpu.vector_load %arg7[%swap3A_182, %swap3A_183] {strides = array<i32>} : memref<2x128xi32, #tpu.memory_space<vmem>>, vector<16xi32>,
    tpu.vector_store %arg7[%swap3A_182, %swap3A_183], %add3A_180 {strides = array<i32>} : memref<2x128xi32, #tpu.memory_space<vmem>>, vector<16xi32>,
    %add3A_185 = vector.broadcast %mul3A_23 : i32 to vector<16xi32>
    %add3A_186 = arith.addi %gather3A_178, %add3A_185 : vector<16xi32>
    %swap3A_187 = arith.constant 1 : i32
    %swap3A_188 = arith.index_cast %swap3A_187 : i32 to index
    %swap3A_189 = arith.constant 16 : index
    %swap3A_190 = tpu.vector_load %arg8[%swap3A_188, %swap3A_189] {strides = array<i32>} : memref<2x128xi32, #tpu.memory_space<vmem>>, vector<16xi32>,
    tpu.vector_store %arg8[%swap3A_188, %swap3A_189], %add3A_186 {strides = array<i32>} : memref<2x128xi32, #tpu.memory_space<vmem>>, vector<16xi32>,
    %add3A_191 = arith.constant 160 : i32
    %add3A_192 = arith.addi %sub3A_21, %add3A_191 : i32
    %get3A_193 = arith.index_cast %add3A_192 : i32 to index
    %get3A_194 = tpu.vector_load %arg6[%get3A_193] {strides = array<i32>} : memref<2048xi32, #tpu.memory_space<vmem>>, vector<16xi32>,
    %gather3A_195 = tpu.vector_load_idx %arg6[%get3A_194] : memref<2048xi32, #tpu.memory_space<vmem>>[vector<16xi32>], vector<16xi32>,
    %add3A_196 = vector.broadcast %mul3A_23 : i32 to vector<16xi32>
    %add3A_197 = arith.addi %get3A_194, %add3A_196 : vector<16xi32>
    %swap3A_198 = arith.constant 1 : i32
    %swap3A_199 = arith.index_cast %swap3A_198 : i32 to index
    %swap3A_200 = arith.constant 32 : index
    %swap3A_201 = tpu.vector_load %arg7[%swap3A_199, %swap3A_200] {strides = array<i32>} : memref<2x128xi32, #tpu.memory_space<vmem>>, vector<16xi32>,
    tpu.vector_store %arg7[%swap3A_199, %swap3A_200], %add3A_197 {strides = array<i32>} : memref<2x128xi32, #tpu.memory_space<vmem>>, vector<16xi32>,
    %add3A_202 = vector.broadcast %mul3A_23 : i32 to vector<16xi32>
    %add3A_203 = arith.addi %gather3A_195, %add3A_202 : vector<16xi32>
    %swap3A_204 = arith.constant 1 : i32
    %swap3A_205 = arith.index_cast %swap3A_204 : i32 to index
    %swap3A_206 = arith.constant 32 : index
    %swap3A_207 = tpu.vector_load %arg8[%swap3A_205, %swap3A_206] {strides = array<i32>} : memref<2x128xi32, #tpu.memory_space<vmem>>, vector<16xi32>,
    tpu.vector_store %arg8[%swap3A_205, %swap3A_206], %add3A_203 {strides = array<i32>} : memref<2x128xi32, #tpu.memory_space<vmem>>, vector<16xi32>,
    %add3A_208 = arith.constant 176 : i32
    %add3A_209 = arith.addi %sub3A_21, %add3A_208 : i32
    %get3A_210 = arith.index_cast %add3A_209 : i32 to index
    %get3A_211 = tpu.vector_load %arg6[%get3A_210] {strides = array<i32>} : memref<2048xi32, #tpu.memory_space<vmem>>, vector<16xi32>,
    %gather3A_212 = tpu.vector_load_idx %arg6[%get3A_211] : memref<2048xi32, #tpu.memory_space<vmem>>[vector<16xi32>], vector<16xi32>,
    %add3A_213 = vector.broadcast %mul3A_23 : i32 to vector<16xi32>
    %add3A_214 = arith.addi %get3A_211, %add3A_213 : vector<16xi32>
    %swap3A_215 = arith.constant 1 : i32
    %swap3A_216 = arith.index_cast %swap3A_215 : i32 to index
    %swap3A_217 = arith.constant 48 : index
    %swap3A_218 = tpu.vector_load %arg7[%swap3A_216, %swap3A_217] {strides = array<i32>} : memref<2x128xi32, #tpu.memory_space<vmem>>, vector<16xi32>,
    tpu.vector_store %arg7[%swap3A_216, %swap3A_217], %add3A_214 {strides = array<i32>} : memref<2x128xi32, #tpu.memory_space<vmem>>, vector<16xi32>,
    %add3A_219 = vector.broadcast %mul3A_23 : i32 to vector<16xi32>
    %add3A_220 = arith.addi %gather3A_212, %add3A_219 : vector<16xi32>
    %swap3A_221 = arith.constant 1 : i32
    %swap3A_222 = arith.index_cast %swap3A_221 : i32 to index
    %swap3A_223 = arith.constant 48 : index
    %swap3A_224 = tpu.vector_load %arg8[%swap3A_222, %swap3A_223] {strides = array<i32>} : memref<2x128xi32, #tpu.memory_space<vmem>>, vector<16xi32>,
    tpu.vector_store %arg8[%swap3A_222, %swap3A_223], %add3A_220 {strides = array<i32>} : memref<2x128xi32, #tpu.memory_space<vmem>>, vector<16xi32>,
    %add3A_225 = arith.constant 192 : i32
    %add3A_226 = arith.addi %sub3A_21, %add3A_225 : i32
    %get3A_227 = arith.index_cast %add3A_226 : i32 to index
    %get3A_228 = tpu.vector_load %arg6[%get3A_227] {strides = array<i32>} : memref<2048xi32, #tpu.memory_space<vmem>>, vector<16xi32>,
    %gather3A_229 = tpu.vector_load_idx %arg6[%get3A_228] : memref<2048xi32, #tpu.memory_space<vmem>>[vector<16xi32>], vector<16xi32>,
    %add3A_230 = vector.broadcast %mul3A_23 : i32 to vector<16xi32>
    %add3A_231 = arith.addi %get3A_228, %add3A_230 : vector<16xi32>
    %swap3A_232 = arith.constant 1 : i32
    %swap3A_233 = arith.index_cast %swap3A_232 : i32 to index
    %swap3A_234 = arith.constant 64 : index
    %swap3A_235 = tpu.vector_load %arg7[%swap3A_233, %swap3A_234] {strides = array<i32>} : memref<2x128xi32, #tpu.memory_space<vmem>>, vector<16xi32>,
    tpu.vector_store %arg7[%swap3A_233, %swap3A_234], %add3A_231 {strides = array<i32>} : memref<2x128xi32, #tpu.memory_space<vmem>>, vector<16xi32>,
    %add3A_236 = vector.broadcast %mul3A_23 : i32 to vector<16xi32>
    %add3A_237 = arith.addi %gather3A_229, %add3A_236 : vector<16xi32>
    %swap3A_238 = arith.constant 1 : i32
    %swap3A_239 = arith.index_cast %swap3A_238 : i32 to index
    %swap3A_240 = arith.constant 64 : index
    %swap3A_241 = tpu.vector_load %arg8[%swap3A_239, %swap3A_240] {strides = array<i32>} : memref<2x128xi32, #tpu.memory_space<vmem>>, vector<16xi32>,
    tpu.vector_store %arg8[%swap3A_239, %swap3A_240], %add3A_237 {strides = array<i32>} : memref<2x128xi32, #tpu.memory_space<vmem>>, vector<16xi32>,
    %add3A_242 = arith.constant 208 : i32
    %add3A_243 = arith.addi %sub3A_21, %add3A_242 : i32
    %get3A_244 = arith.index_cast %add3A_243 : i32 to index
    %get3A_245 = tpu.vector_load %arg6[%get3A_244] {strides = array<i32>} : memref<2048xi32, #tpu.memory_space<vmem>>, vector<16xi32>,
    %gather3A_246 = tpu.vector_load_idx %arg6[%get3A_245] : memref<2048xi32, #tpu.memory_space<vmem>>[vector<16xi32>], vector<16xi32>,
    %add3A_247 = vector.broadcast %mul3A_23 : i32 to vector<16xi32>
    %add3A_248 = arith.addi %get3A_245, %add3A_247 : vector<16xi32>
    %swap3A_249 = arith.constant 1 : i32
    %swap3A_250 = arith.index_cast %swap3A_249 : i32 to index
    %swap3A_251 = arith.constant 80 : index
    %swap3A_252 = tpu.vector_load %arg7[%swap3A_250, %swap3A_251] {strides = array<i32>} : memref<2x128xi32, #tpu.memory_space<vmem>>, vector<16xi32>,
    tpu.vector_store %arg7[%swap3A_250, %swap3A_251], %add3A_248 {strides = array<i32>} : memref<2x128xi32, #tpu.memory_space<vmem>>, vector<16xi32>,
    %add3A_253 = vector.broadcast %mul3A_23 : i32 to vector<16xi32>
    %add3A_254 = arith.addi %gather3A_246, %add3A_253 : vector<16xi32>
    %swap3A_255 = arith.constant 1 : i32
    %swap3A_256 = arith.index_cast %swap3A_255 : i32 to index
    %swap3A_257 = arith.constant 80 : index
    %swap3A_258 = tpu.vector_load %arg8[%swap3A_256, %swap3A_257] {strides = array<i32>} : memref<2x128xi32, #tpu.memory_space<vmem>>, vector<16xi32>,
    tpu.vector_store %arg8[%swap3A_256, %swap3A_257], %add3A_254 {strides = array<i32>} : memref<2x128xi32, #tpu.memory_space<vmem>>, vector<16xi32>,
    %add3A_259 = arith.constant 224 : i32
    %add3A_260 = arith.addi %sub3A_21, %add3A_259 : i32
    %get3A_261 = arith.index_cast %add3A_260 : i32 to index
    %get3A_262 = tpu.vector_load %arg6[%get3A_261] {strides = array<i32>} : memref<2048xi32, #tpu.memory_space<vmem>>, vector<16xi32>,
    %gather3A_263 = tpu.vector_load_idx %arg6[%get3A_262] : memref<2048xi32, #tpu.memory_space<vmem>>[vector<16xi32>], vector<16xi32>,
    %add3A_264 = vector.broadcast %mul3A_23 : i32 to vector<16xi32>
    %add3A_265 = arith.addi %get3A_262, %add3A_264 : vector<16xi32>
    %swap3A_266 = arith.constant 1 : i32
    %swap3A_267 = arith.index_cast %swap3A_266 : i32 to index
    %swap3A_268 = arith.constant 96 : index
    %swap3A_269 = tpu.vector_load %arg7[%swap3A_267, %swap3A_268] {strides = array<i32>} : memref<2x128xi32, #tpu.memory_space<vmem>>, vector<16xi32>,
    tpu.vector_store %arg7[%swap3A_267, %swap3A_268], %add3A_265 {strides = array<i32>} : memref<2x128xi32, #tpu.memory_space<vmem>>, vector<16xi32>,
    %add3A_270 = vector.broadcast %mul3A_23 : i32 to vector<16xi32>
    %add3A_271 = arith.addi %gather3A_263, %add3A_270 : vector<16xi32>
    %swap3A_272 = arith.constant 1 : i32
    %swap3A_273 = arith.index_cast %swap3A_272 : i32 to index
    %swap3A_274 = arith.constant 96 : index
    %swap3A_275 = tpu.vector_load %arg8[%swap3A_273, %swap3A_274] {strides = array<i32>} : memref<2x128xi32, #tpu.memory_space<vmem>>, vector<16xi32>,
    tpu.vector_store %arg8[%swap3A_273, %swap3A_274], %add3A_271 {strides = array<i32>} : memref<2x128xi32, #tpu.memory_space<vmem>>, vector<16xi32>,
    %add3A_276 = arith.constant 240 : i32
    %add3A_277 = arith.addi %sub3A_21, %add3A_276 : i32
    %get3A_278 = arith.index_cast %add3A_277 : i32 to index
    %get3A_279 = tpu.vector_load %arg6[%get3A_278] {strides = array<i32>} : memref<2048xi32, #tpu.memory_space<vmem>>, vector<16xi32>,
    %gather3A_280 = tpu.vector_load_idx %arg6[%get3A_279] : memref<2048xi32, #tpu.memory_space<vmem>>[vector<16xi32>], vector<16xi32>,
    %add3A_281 = vector.broadcast %mul3A_23 : i32 to vector<16xi32>
    %add3A_282 = arith.addi %get3A_279, %add3A_281 : vector<16xi32>
    %swap3A_283 = arith.constant 1 : i32
    %swap3A_284 = arith.index_cast %swap3A_283 : i32 to index
    %swap3A_285 = arith.constant 112 : index
    %swap3A_286 = tpu.vector_load %arg7[%swap3A_284, %swap3A_285] {strides = array<i32>} : memref<2x128xi32, #tpu.memory_space<vmem>>, vector<16xi32>,
    tpu.vector_store %arg7[%swap3A_284, %swap3A_285], %add3A_282 {strides = array<i32>} : memref<2x128xi32, #tpu.memory_space<vmem>>, vector<16xi32>,
    %add3A_287 = vector.broadcast %mul3A_23 : i32 to vector<16xi32>
    %add3A_288 = arith.addi %gather3A_280, %add3A_287 : vector<16xi32>
    %swap3A_289 = arith.constant 1 : i32
    %swap3A_290 = arith.index_cast %swap3A_289 : i32 to index
    %swap3A_291 = arith.constant 112 : index
    %swap3A_292 = tpu.vector_load %arg8[%swap3A_290, %swap3A_291] {strides = array<i32>} : memref<2x128xi32, #tpu.memory_space<vmem>>, vector<16xi32>,
    tpu.vector_store %arg8[%swap3A_290, %swap3A_291], %add3A_288 {strides = array<i32>} : memref<2x128xi32, #tpu.memory_space<vmem>>, vector<16xi32>,
    %dma_start3A = arith.constant 0 : i32
    %dma_start3A_293 = arith.constant 0 : i32
    %dma_start3A_294 = tpu.memref_slice %arg7[%dma_start3A, %dma_start3A_293] : memref<2x128xi32, #tpu.memory_space<vmem>> -> memref<1x128xi32, #tpu.memory_space<vmem>>
    %dma_start3A_295 = tpu.memref_squeeze %dma_start3A_294 : memref<1x128xi32, #tpu.memory_space<vmem>> -> memref<128xi32, #tpu.memory_space<vmem>>
    %dma_start3A_296 = arith.constant 0 : i32
    %dma_start3A_297 = arith.constant 0 : i32
    %dma_start3A_298 = tpu.memref_slice %arg2[%dma_start3A_296, %dma_start3A_297] : memref<8192x384xi32, #tpu.memory_space<hbm>> -> memref<8192x384xi32, #tpu.memory_space<hbm>>
    tpu.enqueue_indirect_dma source(%dma_start3A_298 : memref<8192x384xi32, #tpu.memory_space<hbm>>) target(%arg9 : memref<128x384xi32, #tpu.memory_space<vmem>>) offsets(%dma_start3A_295 : memref<128xi32, #tpu.memory_space<vmem>>) semaphore(%arg11 : memref<!tpu.dma_semaphore, #tpu.memory_space<semaphore_mem>>)
    %dma_wait3A = arith.constant 0 : i32
    %dma_wait3A_299 = arith.constant 0 : i32
    %dma_wait3A_300 = tpu.memref_slice %arg7[%dma_wait3A, %dma_wait3A_299] : memref<2x128xi32, #tpu.memory_space<vmem>> -> memref<1x128xi32, #tpu.memory_space<vmem>>
    %dma_wait3A_301 = tpu.memref_squeeze %dma_wait3A_300 : memref<1x128xi32, #tpu.memory_space<vmem>> -> memref<128xi32, #tpu.memory_space<vmem>>
    %dma_wait3A_302 = arith.constant 0 : i32
    %dma_wait3A_303 = arith.constant 0 : i32
    %dma_wait3A_304 = tpu.memref_slice %arg2[%dma_wait3A_302, %dma_wait3A_303] : memref<8192x384xi32, #tpu.memory_space<hbm>> -> memref<8192x384xi32, #tpu.memory_space<hbm>>
    tpu.wait_indirect_dma semaphore(%arg11 : memref<!tpu.dma_semaphore, #tpu.memory_space<semaphore_mem>>) src(%dma_wait3A_304 : memref<8192x384xi32, #tpu.memory_space<hbm>>) dst(%arg9 : memref<128x384xi32, #tpu.memory_space<vmem>>)
    %add3A_305 = arith.constant 0 : i32
    %add3A_306 = arith.addi %mul3A_2, %add3A_305 : i32
    %dma_start3A_307 = arith.constant 0 : i32
    %dma_start3A_308 = tpu.memref_slice %arg4[%add3A_306, %dma_start3A_307] : memref<8192x384xi32, #tpu.memory_space<hbm>> -> memref<128x384xi32, #tpu.memory_space<hbm>>
    %dma_start3A_309 = arith.constant 0 : i32
    %dma_start3A_310 = tpu.memref_slice %arg4[%add3A_306, %dma_start3A_309] : memref<8192x384xi32, #tpu.memory_space<hbm>> -> memref<128x384xi32, #tpu.memory_space<hbm>>
    tpu.enqueue_dma source(%arg9 : memref<128x384xi32, #tpu.memory_space<vmem>>) target(%dma_start3A_310 : memref<128x384xi32, #tpu.memory_space<hbm>>) target_semaphore(%arg12 : memref<!tpu.dma_semaphore, #tpu.memory_space<semaphore_mem>>)
    %dma_start3A_311 = arith.constant 1 : i32
    %dma_start3A_312 = arith.constant 0 : i32
    %dma_start3A_313 = tpu.memref_slice %arg7[%dma_start3A_311, %dma_start3A_312] : memref<2x128xi32, #tpu.memory_space<vmem>> -> memref<1x128xi32, #tpu.memory_space<vmem>>
    %dma_start3A_314 = tpu.memref_squeeze %dma_start3A_313 : memref<1x128xi32, #tpu.memory_space<vmem>> -> memref<128xi32, #tpu.memory_space<vmem>>
    %dma_start3A_315 = arith.constant 0 : i32
    %dma_start3A_316 = arith.constant 0 : i32
    %dma_start3A_317 = tpu.memref_slice %arg2[%dma_start3A_315, %dma_start3A_316] : memref<8192x384xi32, #tpu.memory_space<hbm>> -> memref<8192x384xi32, #tpu.memory_space<hbm>>
    tpu.enqueue_indirect_dma source(%dma_start3A_317 : memref<8192x384xi32, #tpu.memory_space<hbm>>) target(%arg10 : memref<128x384xi32, #tpu.memory_space<vmem>>) offsets(%dma_start3A_314 : memref<128xi32, #tpu.memory_space<vmem>>) semaphore(%arg11 : memref<!tpu.dma_semaphore, #tpu.memory_space<semaphore_mem>>)
    %dma_wait3A_318 = arith.constant 1 : i32
    %dma_wait3A_319 = arith.constant 0 : i32
    %dma_wait3A_320 = tpu.memref_slice %arg7[%dma_wait3A_318, %dma_wait3A_319] : memref<2x128xi32, #tpu.memory_space<vmem>> -> memref<1x128xi32, #tpu.memory_space<vmem>>
    %dma_wait3A_321 = tpu.memref_squeeze %dma_wait3A_320 : memref<1x128xi32, #tpu.memory_space<vmem>> -> memref<128xi32, #tpu.memory_space<vmem>>
    %dma_wait3A_322 = arith.constant 0 : i32
    %dma_wait3A_323 = arith.constant 0 : i32
    %dma_wait3A_324 = tpu.memref_slice %arg2[%dma_wait3A_322, %dma_wait3A_323] : memref<8192x384xi32, #tpu.memory_space<hbm>> -> memref<8192x384xi32, #tpu.memory_space<hbm>>
    tpu.wait_indirect_dma semaphore(%arg11 : memref<!tpu.dma_semaphore, #tpu.memory_space<semaphore_mem>>) src(%dma_wait3A_324 : memref<8192x384xi32, #tpu.memory_space<hbm>>) dst(%arg10 : memref<128x384xi32, #tpu.memory_space<vmem>>)
    %add3A_325 = arith.constant 128 : i32
    %add3A_326 = arith.addi %mul3A_2, %add3A_325 : i32
    %dma_start3A_327 = arith.constant 0 : i32
    %dma_start3A_328 = tpu.memref_slice %arg4[%add3A_326, %dma_start3A_327] : memref<8192x384xi32, #tpu.memory_space<hbm>> -> memref<128x384xi32, #tpu.memory_space<hbm>>
    %dma_start3A_329 = arith.constant 0 : i32
    %dma_start3A_330 = tpu.memref_slice %arg4[%add3A_326, %dma_start3A_329] : memref<8192x384xi32, #tpu.memory_space<hbm>> -> memref<128x384xi32, #tpu.memory_space<hbm>>
    tpu.enqueue_dma source(%arg10 : memref<128x384xi32, #tpu.memory_space<vmem>>) target(%dma_start3A_330 : memref<128x384xi32, #tpu.memory_space<hbm>>) target_semaphore(%arg13 : memref<!tpu.dma_semaphore, #tpu.memory_space<semaphore_mem>>)
    %dma_wait3A_331 = arith.constant 0 : i32
    %dma_wait3A_332 = tpu.memref_slice %arg4[%add3A_306, %dma_wait3A_331] : memref<8192x384xi32, #tpu.memory_space<hbm>> -> memref<128x384xi32, #tpu.memory_space<hbm>>
    %dma_wait3A_333 = arith.constant 0 : i32
    %dma_wait3A_334 = tpu.memref_slice %arg4[%add3A_306, %dma_wait3A_333] : memref<8192x384xi32, #tpu.memory_space<hbm>> -> memref<128x384xi32, #tpu.memory_space<hbm>>
    tpu.wait_dma2 semaphore(%arg12 : memref<!tpu.dma_semaphore, #tpu.memory_space<semaphore_mem>>) src(%arg9 : memref<128x384xi32, #tpu.memory_space<vmem>>) dst(%dma_wait3A_334 : memref<128x384xi32, #tpu.memory_space<hbm>>)
    %dma_start3A_335 = arith.constant 0 : i32
    %dma_start3A_336 = arith.constant 0 : i32
    %dma_start3A_337 = tpu.memref_slice %arg8[%dma_start3A_335, %dma_start3A_336] : memref<2x128xi32, #tpu.memory_space<vmem>> -> memref<1x128xi32, #tpu.memory_space<vmem>>
    %dma_start3A_338 = tpu.memref_squeeze %dma_start3A_337 : memref<1x128xi32, #tpu.memory_space<vmem>> -> memref<128xi32, #tpu.memory_space<vmem>>
    %dma_start3A_339 = arith.constant 0 : i32
    %dma_start3A_340 = arith.constant 0 : i32
    %dma_start3A_341 = tpu.memref_slice %arg2[%dma_start3A_339, %dma_start3A_340] : memref<8192x384xi32, #tpu.memory_space<hbm>> -> memref<8192x384xi32, #tpu.memory_space<hbm>>
    tpu.enqueue_indirect_dma source(%dma_start3A_341 : memref<8192x384xi32, #tpu.memory_space<hbm>>) target(%arg9 : memref<128x384xi32, #tpu.memory_space<vmem>>) offsets(%dma_start3A_338 : memref<128xi32, #tpu.memory_space<vmem>>) semaphore(%arg11 : memref<!tpu.dma_semaphore, #tpu.memory_space<semaphore_mem>>)
    %dma_wait3A_342 = arith.constant 0 : i32
    %dma_wait3A_343 = arith.constant 0 : i32
    %dma_wait3A_344 = tpu.memref_slice %arg8[%dma_wait3A_342, %dma_wait3A_343] : memref<2x128xi32, #tpu.memory_space<vmem>> -> memref<1x128xi32, #tpu.memory_space<vmem>>
    %dma_wait3A_345 = tpu.memref_squeeze %dma_wait3A_344 : memref<1x128xi32, #tpu.memory_space<vmem>> -> memref<128xi32, #tpu.memory_space<vmem>>
    %dma_wait3A_346 = arith.constant 0 : i32
    %dma_wait3A_347 = arith.constant 0 : i32
    %dma_wait3A_348 = tpu.memref_slice %arg2[%dma_wait3A_346, %dma_wait3A_347] : memref<8192x384xi32, #tpu.memory_space<hbm>> -> memref<8192x384xi32, #tpu.memory_space<hbm>>
    tpu.wait_indirect_dma semaphore(%arg11 : memref<!tpu.dma_semaphore, #tpu.memory_space<semaphore_mem>>) src(%dma_wait3A_348 : memref<8192x384xi32, #tpu.memory_space<hbm>>) dst(%arg9 : memref<128x384xi32, #tpu.memory_space<vmem>>)
    %add3A_349 = arith.constant 0 : i32
    %add3A_350 = arith.addi %mul3A_2, %add3A_349 : i32
    %dma_start3A_351 = arith.constant 0 : i32
    %dma_start3A_352 = tpu.memref_slice %arg5[%add3A_350, %dma_start3A_351] : memref<8192x384xi32, #tpu.memory_space<hbm>> -> memref<128x384xi32, #tpu.memory_space<hbm>>
    %dma_start3A_353 = arith.constant 0 : i32
    %dma_start3A_354 = tpu.memref_slice %arg5[%add3A_350, %dma_start3A_353] : memref<8192x384xi32, #tpu.memory_space<hbm>> -> memref<128x384xi32, #tpu.memory_space<hbm>>
    tpu.enqueue_dma source(%arg9 : memref<128x384xi32, #tpu.memory_space<vmem>>) target(%dma_start3A_354 : memref<128x384xi32, #tpu.memory_space<hbm>>) target_semaphore(%arg12 : memref<!tpu.dma_semaphore, #tpu.memory_space<semaphore_mem>>)
    %dma_wait3A_355 = arith.constant 0 : i32
    %dma_wait3A_356 = tpu.memref_slice %arg4[%add3A_326, %dma_wait3A_355] : memref<8192x384xi32, #tpu.memory_space<hbm>> -> memref<128x384xi32, #tpu.memory_space<hbm>>
    %dma_wait3A_357 = arith.constant 0 : i32
    %dma_wait3A_358 = tpu.memref_slice %arg4[%add3A_326, %dma_wait3A_357] : memref<8192x384xi32, #tpu.memory_space<hbm>> -> memref<128x384xi32, #tpu.memory_space<hbm>>
    tpu.wait_dma2 semaphore(%arg13 : memref<!tpu.dma_semaphore, #tpu.memory_space<semaphore_mem>>) src(%arg10 : memref<128x384xi32, #tpu.memory_space<vmem>>) dst(%dma_wait3A_358 : memref<128x384xi32, #tpu.memory_space<hbm>>)
    %dma_start3A_359 = arith.constant 1 : i32
    %dma_start3A_360 = arith.constant 0 : i32
    %dma_start3A_361 = tpu.memref_slice %arg8[%dma_start3A_359, %dma_start3A_360] : memref<2x128xi32, #tpu.memory_space<vmem>> -> memref<1x128xi32, #tpu.memory_space<vmem>>
    %dma_start3A_362 = tpu.memref_squeeze %dma_start3A_361 : memref<1x128xi32, #tpu.memory_space<vmem>> -> memref<128xi32, #tpu.memory_space<vmem>>
    %dma_start3A_363 = arith.constant 0 : i32
    %dma_start3A_364 = arith.constant 0 : i32
    %dma_start3A_365 = tpu.memref_slice %arg2[%dma_start3A_363, %dma_start3A_364] : memref<8192x384xi32, #tpu.memory_space<hbm>> -> memref<8192x384xi32, #tpu.memory_space<hbm>>
    tpu.enqueue_indirect_dma source(%dma_start3A_365 : memref<8192x384xi32, #tpu.memory_space<hbm>>) target(%arg10 : memref<128x384xi32, #tpu.memory_space<vmem>>) offsets(%dma_start3A_362 : memref<128xi32, #tpu.memory_space<vmem>>) semaphore(%arg11 : memref<!tpu.dma_semaphore, #tpu.memory_space<semaphore_mem>>)
    %dma_wait3A_366 = arith.constant 1 : i32
    %dma_wait3A_367 = arith.constant 0 : i32
    %dma_wait3A_368 = tpu.memref_slice %arg8[%dma_wait3A_366, %dma_wait3A_367] : memref<2x128xi32, #tpu.memory_space<vmem>> -> memref<1x128xi32, #tpu.memory_space<vmem>>
    %dma_wait3A_369 = tpu.memref_squeeze %dma_wait3A_368 : memref<1x128xi32, #tpu.memory_space<vmem>> -> memref<128xi32, #tpu.memory_space<vmem>>
    %dma_wait3A_370 = arith.constant 0 : i32
    %dma_wait3A_371 = arith.constant 0 : i32
    %dma_wait3A_372 = tpu.memref_slice %arg2[%dma_wait3A_370, %dma_wait3A_371] : memref<8192x384xi32, #tpu.memory_space<hbm>> -> memref<8192x384xi32, #tpu.memory_space<hbm>>
    tpu.wait_indirect_dma semaphore(%arg11 : memref<!tpu.dma_semaphore, #tpu.memory_space<semaphore_mem>>) src(%dma_wait3A_372 : memref<8192x384xi32, #tpu.memory_space<hbm>>) dst(%arg10 : memref<128x384xi32, #tpu.memory_space<vmem>>)
    %add3A_373 = arith.constant 128 : i32
    %add3A_374 = arith.addi %mul3A_2, %add3A_373 : i32
    %dma_start3A_375 = arith.constant 0 : i32
    %dma_start3A_376 = tpu.memref_slice %arg5[%add3A_374, %dma_start3A_375] : memref<8192x384xi32, #tpu.memory_space<hbm>> -> memref<128x384xi32, #tpu.memory_space<hbm>>
    %dma_start3A_377 = arith.constant 0 : i32
    %dma_start3A_378 = tpu.memref_slice %arg5[%add3A_374, %dma_start3A_377] : memref<8192x384xi32, #tpu.memory_space<hbm>> -> memref<128x384xi32, #tpu.memory_space<hbm>>
    tpu.enqueue_dma source(%arg10 : memref<128x384xi32, #tpu.memory_space<vmem>>) target(%dma_start3A_378 : memref<128x384xi32, #tpu.memory_space<hbm>>) target_semaphore(%arg13 : memref<!tpu.dma_semaphore, #tpu.memory_space<semaphore_mem>>)
    %dma_wait3A_379 = arith.constant 0 : i32
    %dma_wait3A_380 = tpu.memref_slice %arg5[%add3A_350, %dma_wait3A_379] : memref<8192x384xi32, #tpu.memory_space<hbm>> -> memref<128x384xi32, #tpu.memory_space<hbm>>
    %dma_wait3A_381 = arith.constant 0 : i32
    %dma_wait3A_382 = tpu.memref_slice %arg5[%add3A_350, %dma_wait3A_381] : memref<8192x384xi32, #tpu.memory_space<hbm>> -> memref<128x384xi32, #tpu.memory_space<hbm>>
    tpu.wait_dma2 semaphore(%arg12 : memref<!tpu.dma_semaphore, #tpu.memory_space<semaphore_mem>>) src(%arg9 : memref<128x384xi32, #tpu.memory_space<vmem>>) dst(%dma_wait3A_382 : memref<128x384xi32, #tpu.memory_space<hbm>>)
    %dma_wait3A_383 = arith.constant 0 : i32
    %dma_wait3A_384 = tpu.memref_slice %arg5[%add3A_374, %dma_wait3A_383] : memref<8192x384xi32, #tpu.memory_space<hbm>> -> memref<128x384xi32, #tpu.memory_space<hbm>>
    %dma_wait3A_385 = arith.constant 0 : i32
    %dma_wait3A_386 = tpu.memref_slice %arg5[%add3A_374, %dma_wait3A_385] : memref<8192x384xi32, #tpu.memory_space<hbm>> -> memref<128x384xi32, #tpu.memory_space<hbm>>
    tpu.wait_dma2 semaphore(%arg13 : memref<!tpu.dma_semaphore, #tpu.memory_space<semaphore_mem>>) src(%arg10 : memref<128x384xi32, #tpu.memory_space<vmem>>) dst(%dma_wait3A_386 : memref<128x384xi32, #tpu.memory_space<hbm>>)
    return
  }
}

module attributes {stable_mosaic.version = 14 : i64} {
  func.func @_pack_body(%arg0: i32, %arg1: memref<1024x768xf32, #tpu.memory_space<vmem>>, %arg2: memref<1024x384xi32, #tpu.memory_space<vmem>>) attributes {dimension_semantics = [#tpu.dimension_semantics<arbitrary>], iteration_bounds = array<i64: 8>, scalar_prefetch = 0 : i64, scratch_operands = 0 : i64, tpu.core_type = #tpu.core_type<tc>, window_params = [{transform_indices = @transform_0, window_bounds = array<i64: 1024, 768>}, {transform_indices = @transform_1, window_bounds = array<i64: 1024, 384>}]} {
    %get3A = arith.constant 0 : index
    %get3A_0 = arith.constant 0 : index
    %get3A_1 = vector.load %arg1[%get3A, %get3A_0] : memref<1024x768xf32, #tpu.memory_space<vmem>>, vector<1024x768xf32>
    %convert_element_type3A = arith.truncf %get3A_1 : vector<1024x768xf32> to vector<1024x768xbf16>
    %slice3A = vector.extract_strided_slice %convert_element_type3A {offsets = [0, 0], sizes = [1024, 384], strides = [1, 1]} : vector<1024x768xbf16> to vector<1024x384xbf16>
    %slice3A_2 = vector.extract_strided_slice %convert_element_type3A {offsets = [0, 384], sizes = [1024, 384], strides = [1, 1]} : vector<1024x768xbf16> to vector<1024x384xbf16>
    %bitcast_convert_type3A = tpu.bitcast %slice3A : vector<1024x384xbf16> -> vector<1024x384xi16>
    %convert_element_type3A_3 = arith.extui %bitcast_convert_type3A : vector<1024x384xi16> to vector<1024x384xi32>
    %bitcast_convert_type3A_4 = tpu.bitcast %slice3A_2 : vector<1024x384xbf16> -> vector<1024x384xi16>
    %convert_element_type3A_5 = arith.extui %bitcast_convert_type3A_4 : vector<1024x384xi16> to vector<1024x384xi32>
    %shift_left3A = arith.constant 16 : i32
    %shift_left3A_6 = vector.broadcast %shift_left3A : i32 to vector<1024x384xi32>
    %shift_left3A_7 = arith.shli %convert_element_type3A_5, %shift_left3A_6 : vector<1024x384xi32>
    %or3A = arith.ori %convert_element_type3A_3, %shift_left3A_7 : vector<1024x384xi32>
    %bitcast_convert_type3A_8 = tpu.bitcast %or3A : vector<1024x384xi32> -> vector<1024x384xi32>
    %swap3A = arith.constant 0 : index
    %swap3A_9 = arith.constant 0 : index
    %swap3A_10 = vector.load %arg2[%swap3A, %swap3A_9] : memref<1024x384xi32, #tpu.memory_space<vmem>>, vector<1024x384xi32>
    tpu.vector_store %arg2[%swap3A, %swap3A_9], %bitcast_convert_type3A_8 {strides = array<i32>} : memref<1024x384xi32, #tpu.memory_space<vmem>>, vector<1024x384xi32>,
    return
  }
  func.func @transform_0(%arg0: i32) -> (i32, i32) {
    %c0_i32 = arith.constant 0 : i32
    %c0_i32_0 = arith.constant 0 : i32
    return %arg0, %c0_i32 : i32, i32
  }
  func.func @transform_1(%arg0: i32) -> (i32, i32) {
    %c0_i32 = arith.constant 0 : i32
    %c0_i32_0 = arith.constant 0 : i32
    return %arg0, %c0_i32 : i32, i32
  }
}

module attributes {stable_mosaic.version = 14 : i64} {
  func.func @_main_body(%arg0: i32, %arg1: i32, %arg2: memref<1024x384xi32, #tpu.memory_space<vmem>>, %arg3: memref<1024x384xi32, #tpu.memory_space<vmem>>, %arg4: memref<1024x384xi32, #tpu.memory_space<vmem>>, %arg5: memref<768x768xf32, #tpu.memory_space<vmem>>, %arg6: memref<768x768xf32, #tpu.memory_space<vmem>>, %arg7: memref<768x768xf32, #tpu.memory_space<vmem>>, %arg8: memref<768x768xf32, #tpu.memory_space<vmem>>, %arg9: memref<1x768xf32, #tpu.memory_space<vmem>>, %arg10: memref<1x768xf32, #tpu.memory_space<vmem>>, %arg11: memref<1x768xf32, #tpu.memory_space<vmem>>, %arg12: memref<1x768xf32, #tpu.memory_space<vmem>>, %arg13: memref<1x1xf32, #tpu.memory_space<vmem>>, %arg14: memref<1024x768xf32, #tpu.memory_space<vmem>>, %arg15: memref<768x768xbf16, #tpu.memory_space<vmem>>, %arg16: memref<768x768xbf16, #tpu.memory_space<vmem>>, %arg17: memref<1x768xf32, #tpu.memory_space<vmem>>, %arg18: memref<1x768xf32, #tpu.memory_space<vmem>>, %arg19: memref<1x768xf32, #tpu.memory_space<vmem>>, %arg20: memref<1x1xf32, #tpu.memory_space<vmem>>, %arg21: memref<4x768xf32, #tpu.memory_space<vmem>>, %arg22: memref<4x768xf32, #tpu.memory_space<vmem>>, %arg23: memref<8192x1xf32, #tpu.memory_space<vmem>>) attributes {dimension_semantics = [#tpu.dimension_semantics<arbitrary>, #tpu.dimension_semantics<arbitrary>], iteration_bounds = array<i64: 2, 8>, scalar_prefetch = 0 : i64, scratch_operands = 9 : i64, tpu.core_type = #tpu.core_type<tc>, window_params = [{transform_indices = @transform_0, window_bounds = array<i64: 1024, 384>}, {transform_indices = @transform_1, window_bounds = array<i64: 1024, 384>}, {transform_indices = @transform_2, window_bounds = array<i64: 1024, 384>}, {pipeline_mode = #tpu.pipeline_mode<synchronous>, transform_indices = @transform_3, window_bounds = array<i64: 768, 768>}, {pipeline_mode = #tpu.pipeline_mode<synchronous>, transform_indices = @transform_4, window_bounds = array<i64: 768, 768>}, {pipeline_mode = #tpu.pipeline_mode<synchronous>, transform_indices = @transform_5, window_bounds = array<i64: 768, 768>}, {pipeline_mode = #tpu.pipeline_mode<synchronous>, transform_indices = @transform_6, window_bounds = array<i64: 768, 768>}, {pipeline_mode = #tpu.pipeline_mode<synchronous>, transform_indices = @transform_7, window_bounds = array<i64: 1, 768>}, {pipeline_mode = #tpu.pipeline_mode<synchronous>, transform_indices = @transform_8, window_bounds = array<i64: 1, 768>}, {pipeline_mode = #tpu.pipeline_mode<synchronous>, transform_indices = @transform_9, window_bounds = array<i64: 1, 768>}, {pipeline_mode = #tpu.pipeline_mode<synchronous>, transform_indices = @transform_10, window_bounds = array<i64: 1, 768>}, {pipeline_mode = #tpu.pipeline_mode<synchronous>, transform_indices = @transform_11, window_bounds = array<i64: 1, 1>}, {transform_indices = @transform_12, window_bounds = array<i64: 1024, 768>}]} {
    %jit3A = arith.constant 2 : i32
    %div3A = arith.divsi %arg1, %jit3A : i32
    %sign3A = arith.constant 0 : i32
    %sign3A_0 = arith.cmpi sgt, %arg1, %sign3A : i32
    %sign3A_1 = arith.extui %sign3A_0 : i1 to i32
    %sign3A_2 = arith.constant 0 : i32
    %sign3A_3 = arith.cmpi slt, %arg1, %sign3A_2 : i32
    %sign3A_4 = arith.extui %sign3A_3 : i1 to i32
    %sign3A_5 = arith.subi %sign3A_1, %sign3A_4 : i32
    %sign3A_6 = arith.constant 0 : i32
    %sign3A_7 = arith.cmpi sgt, %jit3A, %sign3A_6 : i32
    %sign3A_8 = arith.extui %sign3A_7 : i1 to i32
    %sign3A_9 = arith.constant 0 : i32
    %sign3A_10 = arith.cmpi slt, %jit3A, %sign3A_9 : i32
    %sign3A_11 = arith.extui %sign3A_10 : i1 to i32
    %sign3A_12 = arith.subi %sign3A_8, %sign3A_11 : i32
    %ne3A = arith.cmpi ne, %sign3A_5, %sign3A_12 : i32
    %rem3A = arith.remsi %arg1, %jit3A : i32
    %ne3A_13 = arith.constant 0 : i32
    %ne3A_14 = arith.cmpi ne, %rem3A, %ne3A_13 : i32
    %and3A = arith.andi %ne3A, %ne3A_14 : i1
    %sub3A = arith.constant 1 : i32
    %sub3A_15 = arith.subi %div3A, %sub3A : i32
    %select_n3A = arith.select %and3A, %sub3A_15, %div3A : i32
    %eq3A = arith.constant 0 : i32
    %eq3A_16 = arith.cmpi eq, %arg0, %eq3A : i32
    %eq3A_17 = arith.constant 0 : i32
    %eq3A_18 = arith.cmpi eq, %arg1, %eq3A_17 : i32
    %and3A_19 = arith.andi %eq3A_16, %eq3A_18 : i1
    %convert_element_type3A = arith.extui %and3A_19 : i1 to i32
    %cond3A = arith.constant 0 : i32
    %cond3A_20 = arith.cmpi ne, %convert_element_type3A, %cond3A : i32
    scf.if %cond3A_20 {
      %get3A = arith.constant 0 : index
      %get3A_39 = arith.constant 0 : index
      %get3A_40 = vector.load %arg5[%get3A, %get3A_39] : memref<768x768xf32, #tpu.memory_space<vmem>>, vector<768x768xf32>
      %convert_element_type3A_41 = arith.truncf %get3A_40 : vector<768x768xf32> to vector<768x768xbf16>
      %get3A_42 = arith.constant 0 : index
      %get3A_43 = arith.constant 0 : index
      %get3A_44 = vector.load %arg6[%get3A_42, %get3A_43] : memref<768x768xf32, #tpu.memory_space<vmem>>, vector<768x768xf32>
      %convert_element_type3A_45 = arith.truncf %get3A_44 : vector<768x768xf32> to vector<768x768xbf16>
      %get3A_46 = arith.constant 0 : index
      %get3A_47 = arith.constant 0 : index
      %get3A_48 = vector.load %arg8[%get3A_46, %get3A_47] : memref<768x768xf32, #tpu.memory_space<vmem>>, vector<768x768xf32>
      %convert_element_type3A_49 = arith.truncf %get3A_48 : vector<768x768xf32> to vector<768x768xbf16>
      %dot_general3A = arith.constant dense<0.000000e+00> : vector<768x768xf32>
      %dot_general3A_50 = tpu.matmul %convert_element_type3A_41, %convert_element_type3A_45, %dot_general3A {dimension_numbers = #tpu.dot_dimension_numbers<[0], [0], [1], [1], [0, 1, 1, 1], [], []>, transpose_lhs_hint = false} : vector<768x768xbf16>, vector<768x768xbf16>, vector<768x768xf32> -> vector<768x768xf32>
      %convert_element_type3A_51 = arith.truncf %dot_general3A_50 : vector<768x768xf32> to vector<768x768xbf16>
      %swap3A = arith.constant 0 : index
      %swap3A_52 = arith.constant 0 : index
      %swap3A_53 = vector.load %arg15[%swap3A, %swap3A_52] : memref<768x768xbf16, #tpu.memory_space<vmem>>, vector<768x768xbf16>
      tpu.vector_store %arg15[%swap3A, %swap3A_52], %convert_element_type3A_51 {strides = array<i32>} : memref<768x768xbf16, #tpu.memory_space<vmem>>, vector<768x768xbf16>,
      %get3A_54 = arith.constant 0 : index
      %get3A_55 = arith.constant 0 : index
      %get3A_56 = vector.load %arg7[%get3A_54, %get3A_55] : memref<768x768xf32, #tpu.memory_space<vmem>>, vector<768x768xf32>
      %convert_element_type3A_57 = arith.truncf %get3A_56 : vector<768x768xf32> to vector<768x768xbf16>
      %dot_general3A_58 = arith.constant dense<0.000000e+00> : vector<768x768xf32>
      %dot_general3A_59 = tpu.matmul %convert_element_type3A_49, %convert_element_type3A_57, %dot_general3A_58 {dimension_numbers = #tpu.dot_dimension_numbers<[1], [0], [0], [1], [0, 0, 1, 1], [], []>, transpose_lhs_hint = false} : vector<768x768xbf16>, vector<768x768xbf16>, vector<768x768xf32> -> vector<768x768xf32>
      %convert_element_type3A_60 = arith.truncf %dot_general3A_59 : vector<768x768xf32> to vector<768x768xbf16>
      %swap3A_61 = arith.constant 0 : index
      %swap3A_62 = arith.constant 0 : index
      %swap3A_63 = vector.load %arg16[%swap3A_61, %swap3A_62] : memref<768x768xbf16, #tpu.memory_space<vmem>>, vector<768x768xbf16>
      tpu.vector_store %arg16[%swap3A_61, %swap3A_62], %convert_element_type3A_60 {strides = array<i32>} : memref<768x768xbf16, #tpu.memory_space<vmem>>, vector<768x768xbf16>,
      %get3A_64 = arith.constant 0 : index
      %get3A_65 = arith.constant 0 : index
      %get3A_66 = vector.load %arg10[%get3A_64, %get3A_65] : memref<1x768xf32, #tpu.memory_space<vmem>>, vector<1x768xf32>
      %convert_element_type3A_67 = arith.truncf %get3A_66 : vector<1x768xf32> to vector<1x768xbf16>
      %dot_general3A_68 = arith.constant dense<0.000000e+00> : vector<1x768xf32>
      %dot_general3A_69 = tpu.matmul %convert_element_type3A_67, %convert_element_type3A_41, %dot_general3A_68 {dimension_numbers = #tpu.dot_dimension_numbers<[1], [0], [0], [1], [0, 0, 1, 1], [], []>, transpose_lhs_hint = false} : vector<1x768xbf16>, vector<768x768xbf16>, vector<1x768xf32> -> vector<1x768xf32>
      %swap3A_70 = arith.constant 0 : index
      %swap3A_71 = arith.constant 0 : index
      %swap3A_72 = vector.load %arg17[%swap3A_70, %swap3A_71] : memref<1x768xf32, #tpu.memory_space<vmem>>, vector<1x768xf32>
      tpu.vector_store %arg17[%swap3A_70, %swap3A_71], %dot_general3A_69 {strides = array<i32>} : memref<1x768xf32, #tpu.memory_space<vmem>>, vector<1x768xf32>,
      %get3A_73 = arith.constant 0 : index
      %get3A_74 = arith.constant 0 : index
      %get3A_75 = vector.load %arg9[%get3A_73, %get3A_74] : memref<1x768xf32, #tpu.memory_space<vmem>>, vector<1x768xf32>
      %convert_element_type3A_76 = arith.truncf %get3A_75 : vector<1x768xf32> to vector<1x768xbf16>
      %dot_general3A_77 = arith.constant dense<0.000000e+00> : vector<1x768xf32>
      %dot_general3A_78 = tpu.matmul %convert_element_type3A_76, %convert_element_type3A_45, %dot_general3A_77 {dimension_numbers = #tpu.dot_dimension_numbers<[1], [0], [0], [1], [0, 0, 1, 1], [], []>, transpose_lhs_hint = false} : vector<1x768xbf16>, vector<768x768xbf16>, vector<1x768xf32> -> vector<1x768xf32>
      %swap3A_79 = arith.constant 0 : index
      %swap3A_80 = arith.constant 0 : index
      %swap3A_81 = vector.load %arg18[%swap3A_79, %swap3A_80] : memref<1x768xf32, #tpu.memory_space<vmem>>, vector<1x768xf32>
      tpu.vector_store %arg18[%swap3A_79, %swap3A_80], %dot_general3A_78 {strides = array<i32>} : memref<1x768xf32, #tpu.memory_space<vmem>>, vector<1x768xf32>,
      %get3A_82 = arith.constant 0 : index
      %get3A_83 = arith.constant 0 : index
      %get3A_84 = vector.load %arg11[%get3A_82, %get3A_83] : memref<1x768xf32, #tpu.memory_space<vmem>>, vector<1x768xf32>
      %convert_element_type3A_85 = arith.truncf %get3A_84 : vector<1x768xf32> to vector<1x768xbf16>
      %dot_general3A_86 = arith.constant dense<0.000000e+00> : vector<1x768xf32>
      %dot_general3A_87 = tpu.matmul %convert_element_type3A_85, %convert_element_type3A_49, %dot_general3A_86 {dimension_numbers = #tpu.dot_dimension_numbers<[1], [1], [0], [0], [0, 0, 1, 0], [], []>, transpose_lhs_hint = false} : vector<1x768xbf16>, vector<768x768xbf16>, vector<1x768xf32> -> vector<1x768xf32>
      %swap3A_88 = arith.constant 0 : index
      %swap3A_89 = arith.constant 0 : index
      %swap3A_90 = vector.load %arg19[%swap3A_88, %swap3A_89] : memref<1x768xf32, #tpu.memory_space<vmem>>, vector<1x768xf32>
      tpu.vector_store %arg19[%swap3A_88, %swap3A_89], %dot_general3A_87 {strides = array<i32>} : memref<1x768xf32, #tpu.memory_space<vmem>>, vector<1x768xf32>,
      %get3A_91 = arith.constant 0 : index
      %get3A_92 = arith.constant 0 : index
      %get3A_93 = vector.load %arg9[%get3A_91, %get3A_92] : memref<1x768xf32, #tpu.memory_space<vmem>>, vector<1x768xf32>
      %get3A_94 = arith.constant 0 : index
      %get3A_95 = arith.constant 0 : index
      %get3A_96 = vector.load %arg10[%get3A_94, %get3A_95] : memref<1x768xf32, #tpu.memory_space<vmem>>, vector<1x768xf32>
      %mul3A = arith.mulf %get3A_93, %get3A_96 : vector<1x768xf32>
      %reduce_sum3A = arith.constant dense<0.000000e+00> : vector<1xf32>
      %reduce_sum3A_97 = vector.multi_reduction <add>, %mul3A, %reduce_sum3A [1] : vector<1x768xf32> to vector<1xf32>
      %broadcast_in_dim3A = vector.shape_cast %reduce_sum3A_97 : vector<1xf32> to vector<1x1xf32>
      %get3A_98 = arith.constant 0 : index
      %get3A_99 = arith.constant 0 : index
      %get3A_100 = vector.load %arg13[%get3A_98, %get3A_99] : memref<1x1xf32, #tpu.memory_space<vmem>>, vector<1x1xf32>
      %add3A = arith.addf %broadcast_in_dim3A, %get3A_100 : vector<1x1xf32>
      %swap3A_101 = arith.constant 0 : index
      %swap3A_102 = arith.constant 0 : index
      %swap3A_103 = vector.load %arg20[%swap3A_101, %swap3A_102] : memref<1x1xf32, #tpu.memory_space<vmem>>, vector<1x1xf32>
      tpu.vector_store %arg20[%swap3A_101, %swap3A_102], %add3A {strides = array<i32>} : memref<1x1xf32, #tpu.memory_space<vmem>>, vector<1x1xf32>,
      %broadcast_in_dim3A_104 = arith.constant 0.000000e+00 : f32
      %broadcast_in_dim3A_105 = vector.broadcast %broadcast_in_dim3A_104 : f32 to vector<4x768xf32>
      %swap3A_106 = arith.constant 0 : index
      %swap3A_107 = arith.constant 0 : index
      %swap3A_108 = vector.load %arg21[%swap3A_106, %swap3A_107] : memref<4x768xf32, #tpu.memory_space<vmem>>, vector<4x768xf32>
      tpu.vector_store %arg21[%swap3A_106, %swap3A_107], %broadcast_in_dim3A_105 {strides = array<i32>} : memref<4x768xf32, #tpu.memory_space<vmem>>, vector<4x768xf32>,
    } else {
    }
    %eq3A_21 = arith.constant 0 : i32
    %eq3A_22 = arith.cmpi eq, %arg0, %eq3A_21 : i32
    %convert_element_type3A_23 = arith.extui %eq3A_22 : i1 to i32
    %cond3A_24 = arith.constant 0 : i32
    %cond3A_25 = arith.cmpi ne, %convert_element_type3A_23, %cond3A_24 : i32
    scf.if %cond3A_25 {
      %get3A = arith.constant 0 : index
      %get3A_39 = arith.constant 0 : index
      %get3A_40 = vector.load %arg2[%get3A, %get3A_39] : memref<1024x384xi32, #tpu.memory_space<vmem>>, vector<1024x384xi32>
      %bitcast_convert_type3A = tpu.bitcast %get3A_40 : vector<1024x384xi32> -> vector<1024x384xi32>
      %shift_left3A = arith.constant 16 : i32
      %shift_left3A_41 = vector.broadcast %shift_left3A : i32 to vector<1024x384xi32>
      %shift_left3A_42 = arith.shli %bitcast_convert_type3A, %shift_left3A_41 : vector<1024x384xi32>
      %bitcast_convert_type3A_43 = tpu.bitcast %shift_left3A_42 : vector<1024x384xi32> -> vector<1024x384xf32>
      %and3A_44 = arith.constant -65536 : i32
      %and3A_45 = vector.broadcast %and3A_44 : i32 to vector<1024x384xi32>
      %and3A_46 = arith.andi %bitcast_convert_type3A, %and3A_45 : vector<1024x384xi32>
      %bitcast_convert_type3A_47 = tpu.bitcast %and3A_46 : vector<1024x384xi32> -> vector<1024x384xf32>
      %get3A_48 = arith.constant 0 : index
      %get3A_49 = arith.constant 0 : index
      %get3A_50 = vector.load %arg3[%get3A_48, %get3A_49] : memref<1024x384xi32, #tpu.memory_space<vmem>>, vector<1024x384xi32>
      %bitcast_convert_type3A_51 = tpu.bitcast %get3A_50 : vector<1024x384xi32> -> vector<1024x384xi32>
      %shift_left3A_52 = arith.constant 16 : i32
      %shift_left3A_53 = vector.broadcast %shift_left3A_52 : i32 to vector<1024x384xi32>
      %shift_left3A_54 = arith.shli %bitcast_convert_type3A_51, %shift_left3A_53 : vector<1024x384xi32>
      %bitcast_convert_type3A_55 = tpu.bitcast %shift_left3A_54 : vector<1024x384xi32> -> vector<1024x384xf32>
      %and3A_56 = arith.constant -65536 : i32
      %and3A_57 = vector.broadcast %and3A_56 : i32 to vector<1024x384xi32>
      %and3A_58 = arith.andi %bitcast_convert_type3A_51, %and3A_57 : vector<1024x384xi32>
      %bitcast_convert_type3A_59 = tpu.bitcast %and3A_58 : vector<1024x384xi32> -> vector<1024x384xf32>
      %get3A_60 = arith.index_cast %select_n3A : i32 to index
      %get3A_61 = arith.constant 0 : index
      %get3A_62 = vector.load %arg21[%get3A_60, %get3A_61] : memref<4x768xf32, #tpu.memory_space<vmem>>, vector<1x384xf32>
      %reduce_sum3A = arith.constant dense<0.000000e+00> : vector<384xf32>
      %reduce_sum3A_63 = vector.multi_reduction <add>, %bitcast_convert_type3A_55, %reduce_sum3A [0] : vector<1024x384xf32> to vector<384xf32>
      %broadcast_in_dim3A = vector.shape_cast %reduce_sum3A_63 : vector<384xf32> to vector<1x384xf32>
      %add3A = arith.addf %get3A_62, %broadcast_in_dim3A : vector<1x384xf32>
      %swap3A = arith.index_cast %select_n3A : i32 to index
      %swap3A_64 = arith.constant 0 : index
      %swap3A_65 = vector.load %arg21[%swap3A, %swap3A_64] : memref<4x768xf32, #tpu.memory_space<vmem>>, vector<1x384xf32>
      tpu.vector_store %arg21[%swap3A, %swap3A_64], %add3A {strides = array<i32>} : memref<4x768xf32, #tpu.memory_space<vmem>>, vector<1x384xf32>,
      %get3A_66 = arith.index_cast %select_n3A : i32 to index
      %get3A_67 = arith.constant 384 : index
      %get3A_68 = vector.load %arg21[%get3A_66, %get3A_67] : memref<4x768xf32, #tpu.memory_space<vmem>>, vector<1x384xf32>
      %reduce_sum3A_69 = arith.constant dense<0.000000e+00> : vector<384xf32>
      %reduce_sum3A_70 = vector.multi_reduction <add>, %bitcast_convert_type3A_59, %reduce_sum3A_69 [0] : vector<1024x384xf32> to vector<384xf32>
      %broadcast_in_dim3A_71 = vector.shape_cast %reduce_sum3A_70 : vector<384xf32> to vector<1x384xf32>
      %add3A_72 = arith.addf %get3A_68, %broadcast_in_dim3A_71 : vector<1x384xf32>
      %swap3A_73 = arith.index_cast %select_n3A : i32 to index
      %swap3A_74 = arith.constant 384 : index
      %swap3A_75 = vector.load %arg21[%swap3A_73, %swap3A_74] : memref<4x768xf32, #tpu.memory_space<vmem>>, vector<1x384xf32>
      tpu.vector_store %arg21[%swap3A_73, %swap3A_74], %add3A_72 {strides = array<i32>} : memref<4x768xf32, #tpu.memory_space<vmem>>, vector<1x384xf32>,
      %convert_element_type3A_76 = arith.truncf %bitcast_convert_type3A_43 : vector<1024x384xf32> to vector<1024x384xbf16>
      %get3A_77 = arith.constant 0 : index
      %get3A_78 = arith.constant 0 : index
      %get3A_79 = vector.load %arg15[%get3A_77, %get3A_78] : memref<768x768xbf16, #tpu.memory_space<vmem>>, vector<384x768xbf16>
      %dot_general3A = arith.constant dense<0.000000e+00> : vector<1024x768xf32>
      %dot_general3A_80 = tpu.matmul %convert_element_type3A_76, %get3A_79, %dot_general3A {dimension_numbers = #tpu.dot_dimension_numbers<[1], [0], [0], [1], [0, 0, 1, 1], [], []>, transpose_lhs_hint = false} : vector<1024x384xbf16>, vector<384x768xbf16>, vector<1024x768xf32> -> vector<1024x768xf32>
      %convert_element_type3A_81 = arith.truncf %bitcast_convert_type3A_47 : vector<1024x384xf32> to vector<1024x384xbf16>
      %get3A_82 = arith.constant 384 : index
      %get3A_83 = arith.constant 0 : index
      %get3A_84 = vector.load %arg15[%get3A_82, %get3A_83] : memref<768x768xbf16, #tpu.memory_space<vmem>>, vector<384x768xbf16>
      %dot_general3A_85 = arith.constant dense<0.000000e+00> : vector<1024x768xf32>
      %dot_general3A_86 = tpu.matmul %convert_element_type3A_81, %get3A_84, %dot_general3A_85 {dimension_numbers = #tpu.dot_dimension_numbers<[1], [0], [0], [1], [0, 0, 1, 1], [], []>, transpose_lhs_hint = false} : vector<1024x384xbf16>, vector<384x768xbf16>, vector<1024x768xf32> -> vector<1024x768xf32>
      %add3A_87 = arith.addf %dot_general3A_80, %dot_general3A_86 : vector<1024x768xf32>
      %get3A_88 = arith.constant 0 : index
      %get3A_89 = arith.constant 0 : index
      %get3A_90 = vector.load %arg18[%get3A_88, %get3A_89] : memref<1x768xf32, #tpu.memory_space<vmem>>, vector<1x768xf32>
      %add3A_91 = vector.broadcast %get3A_90 : vector<1x768xf32> to vector<1024x768xf32>
      %add3A_92 = arith.addf %add3A_87, %add3A_91 : vector<1024x768xf32>
      %slice3A = vector.extract_strided_slice %add3A_92 {offsets = [0, 0], sizes = [1024, 384], strides = [1, 1]} : vector<1024x768xf32> to vector<1024x384xf32>
      %mul3A = arith.mulf %slice3A, %bitcast_convert_type3A_55 : vector<1024x384xf32>
      %slice3A_93 = vector.extract_strided_slice %add3A_92 {offsets = [0, 384], sizes = [1024, 384], strides = [1, 1]} : vector<1024x768xf32> to vector<1024x384xf32>
      %mul3A_94 = arith.mulf %slice3A_93, %bitcast_convert_type3A_59 : vector<1024x384xf32>
      %add3A_95 = arith.addf %mul3A, %mul3A_94 : vector<1024x384xf32>
      %get3A_96 = arith.constant 0 : index
      %get3A_97 = arith.constant 0 : index
      %get3A_98 = vector.load %arg17[%get3A_96, %get3A_97] : memref<1x768xf32, #tpu.memory_space<vmem>>, vector<1x384xf32>
      %mul3A_99 = vector.broadcast %get3A_98 : vector<1x384xf32> to vector<1024x384xf32>
      %mul3A_100 = arith.mulf %bitcast_convert_type3A_43, %mul3A_99 : vector<1024x384xf32>
      %add3A_101 = arith.addf %add3A_95, %mul3A_100 : vector<1024x384xf32>
      %get3A_102 = arith.constant 0 : index
      %get3A_103 = arith.constant 384 : index
      %get3A_104 = vector.load %arg17[%get3A_102, %get3A_103] : memref<1x768xf32, #tpu.memory_space<vmem>>, vector<1x384xf32>
      %mul3A_105 = vector.broadcast %get3A_104 : vector<1x384xf32> to vector<1024x384xf32>
      %mul3A_106 = arith.mulf %bitcast_convert_type3A_47, %mul3A_105 : vector<1024x384xf32>
      %add3A_107 = arith.addf %add3A_101, %mul3A_106 : vector<1024x384xf32>
      %reduce_sum3A_108 = arith.constant dense<0.000000e+00> : vector<1024xf32>
      %reduce_sum3A_109 = vector.multi_reduction <add>, %add3A_107, %reduce_sum3A_108 [1] : vector<1024x384xf32> to vector<1024xf32>
      %broadcast_in_dim3A_110 = vector.shape_cast %reduce_sum3A_109 : vector<1024xf32> to vector<1024x1xf32>
      %get3A_111 = arith.constant 0 : index
      %get3A_112 = arith.constant 0 : index
      %get3A_113 = vector.load %arg20[%get3A_111, %get3A_112] : memref<1x1xf32, #tpu.memory_space<vmem>>, vector<1x1xf32>
      %get3A_114 = vector.extract %get3A_113[0, 0] : f32 from vector<1x1xf32>
      %add3A_115 = vector.broadcast %get3A_114 : f32 to vector<1024x1xf32>
      %add3A_116 = arith.addf %broadcast_in_dim3A_110, %add3A_115 : vector<1024x1xf32>
      %mul3A_117 = arith.constant 0.0360843912 : f32
      %mul3A_118 = vector.broadcast %mul3A_117 : f32 to vector<1024x1xf32>
      %mul3A_119 = arith.mulf %add3A_116, %mul3A_118 : vector<1024x1xf32>
      %min3A = arith.constant 8.000000e+01 : f32
      %min3A_120 = vector.broadcast %min3A : f32 to vector<1024x1xf32>
      %min3A_121 = arith.minimumf %mul3A_119, %min3A_120 : vector<1024x1xf32>
      %exp3A = math.exp %min3A_121 : vector<1024x1xf32>
      %mul3A_122 = arith.constant 1024 : i32
      %mul3A_123 = arith.muli %arg1, %mul3A_122 : i32
      %swap3A_124 = arith.index_cast %mul3A_123 : i32 to index
      %swap3A_125 = arith.constant 0 : index
      %swap3A_126 = vector.load %arg23[%swap3A_124, %swap3A_125] : memref<8192x1xf32, #tpu.memory_space<vmem>>, vector<1024x1xf32>
      tpu.vector_store %arg23[%swap3A_124, %swap3A_125], %exp3A {strides = array<i32>} : memref<8192x1xf32, #tpu.memory_space<vmem>>, vector<1024x1xf32>,
    } else {
    }
    %eq3A_26 = arith.constant 1 : i32
    %eq3A_27 = arith.cmpi eq, %arg0, %eq3A_26 : i32
    %eq3A_28 = arith.constant 0 : i32
    %eq3A_29 = arith.cmpi eq, %arg1, %eq3A_28 : i32
    %and3A_30 = arith.andi %eq3A_27, %eq3A_29 : i1
    %convert_element_type3A_31 = arith.extui %and3A_30 : i1 to i32
    %cond3A_32 = arith.constant 0 : i32
    %cond3A_33 = arith.cmpi ne, %convert_element_type3A_31, %cond3A_32 : i32
    scf.if %cond3A_33 {
      %get3A = arith.constant 0 : index
      %get3A_39 = arith.constant 0 : index
      %get3A_40 = vector.load %arg21[%get3A, %get3A_39] : memref<4x768xf32, #tpu.memory_space<vmem>>, vector<4x768xf32>
      %convert_element_type3A_41 = arith.truncf %get3A_40 : vector<4x768xf32> to vector<4x768xbf16>
      %get3A_42 = arith.constant 0 : index
      %get3A_43 = arith.constant 0 : index
      %get3A_44 = vector.load %arg16[%get3A_42, %get3A_43] : memref<768x768xbf16, #tpu.memory_space<vmem>>, vector<768x768xbf16>
      %dot_general3A = arith.constant dense<0.000000e+00> : vector<4x768xf32>
      %dot_general3A_45 = tpu.matmul %convert_element_type3A_41, %get3A_44, %dot_general3A {dimension_numbers = #tpu.dot_dimension_numbers<[1], [1], [0], [0], [0, 0, 1, 0], [], []>, transpose_lhs_hint = false} : vector<4x768xbf16>, vector<768x768xbf16>, vector<4x768xf32> -> vector<4x768xf32>
      %get3A_46 = arith.constant 0 : index
      %get3A_47 = arith.constant 0 : index
      %get3A_48 = vector.load %arg19[%get3A_46, %get3A_47] : memref<1x768xf32, #tpu.memory_space<vmem>>, vector<1x768xf32>
      %mul3A = arith.constant 2.048000e+03 : f32
      %mul3A_49 = vector.broadcast %mul3A : f32 to vector<1x768xf32>
      %mul3A_50 = arith.mulf %mul3A_49, %get3A_48 : vector<1x768xf32>
      %add3A = vector.broadcast %mul3A_50 : vector<1x768xf32> to vector<4x768xf32>
      %add3A_51 = arith.addf %dot_general3A_45, %add3A : vector<4x768xf32>
      %swap3A = arith.constant 0 : index
      %swap3A_52 = arith.constant 0 : index
      %swap3A_53 = vector.load %arg22[%swap3A, %swap3A_52] : memref<4x768xf32, #tpu.memory_space<vmem>>, vector<4x768xf32>
      tpu.vector_store %arg22[%swap3A, %swap3A_52], %add3A_51 {strides = array<i32>} : memref<4x768xf32, #tpu.memory_space<vmem>>, vector<4x768xf32>,
    } else {
    }
    %eq3A_34 = arith.constant 1 : i32
    %eq3A_35 = arith.cmpi eq, %arg0, %eq3A_34 : i32
    %convert_element_type3A_36 = arith.extui %eq3A_35 : i1 to i32
    %cond3A_37 = arith.constant 0 : i32
    %cond3A_38 = arith.cmpi ne, %convert_element_type3A_36, %cond3A_37 : i32
    scf.if %cond3A_38 {
      %get3A = arith.constant 0 : index
      %get3A_39 = arith.constant 0 : index
      %get3A_40 = vector.load %arg4[%get3A, %get3A_39] : memref<1024x384xi32, #tpu.memory_space<vmem>>, vector<1024x384xi32>
      %bitcast_convert_type3A = tpu.bitcast %get3A_40 : vector<1024x384xi32> -> vector<1024x384xi32>
      %shift_left3A = arith.constant 16 : i32
      %shift_left3A_41 = vector.broadcast %shift_left3A : i32 to vector<1024x384xi32>
      %shift_left3A_42 = arith.shli %bitcast_convert_type3A, %shift_left3A_41 : vector<1024x384xi32>
      %bitcast_convert_type3A_43 = tpu.bitcast %shift_left3A_42 : vector<1024x384xi32> -> vector<1024x384xf32>
      %and3A_44 = arith.constant -65536 : i32
      %and3A_45 = vector.broadcast %and3A_44 : i32 to vector<1024x384xi32>
      %and3A_46 = arith.andi %bitcast_convert_type3A, %and3A_45 : vector<1024x384xi32>
      %bitcast_convert_type3A_47 = tpu.bitcast %and3A_46 : vector<1024x384xi32> -> vector<1024x384xf32>
      %convert_element_type3A_48 = arith.truncf %bitcast_convert_type3A_43 : vector<1024x384xf32> to vector<1024x384xbf16>
      %get3A_49 = arith.constant 0 : index
      %get3A_50 = arith.constant 0 : index
      %get3A_51 = vector.load %arg16[%get3A_49, %get3A_50] : memref<768x768xbf16, #tpu.memory_space<vmem>>, vector<768x384xbf16>
      %dot_general3A = arith.constant dense<0.000000e+00> : vector<1024x768xf32>
      %dot_general3A_52 = tpu.matmul %convert_element_type3A_48, %get3A_51, %dot_general3A {dimension_numbers = #tpu.dot_dimension_numbers<[1], [1], [0], [0], [0, 0, 1, 0], [], []>, transpose_lhs_hint = false} : vector<1024x384xbf16>, vector<768x384xbf16>, vector<1024x768xf32> -> vector<1024x768xf32>
      %convert_element_type3A_53 = arith.truncf %bitcast_convert_type3A_47 : vector<1024x384xf32> to vector<1024x384xbf16>
      %get3A_54 = arith.constant 0 : index
      %get3A_55 = arith.constant 384 : index
      %get3A_56 = vector.load %arg16[%get3A_54, %get3A_55] : memref<768x768xbf16, #tpu.memory_space<vmem>>, vector<768x384xbf16>
      %dot_general3A_57 = arith.constant dense<0.000000e+00> : vector<1024x768xf32>
      %dot_general3A_58 = tpu.matmul %convert_element_type3A_53, %get3A_56, %dot_general3A_57 {dimension_numbers = #tpu.dot_dimension_numbers<[1], [1], [0], [0], [0, 0, 1, 0], [], []>, transpose_lhs_hint = false} : vector<1024x384xbf16>, vector<768x384xbf16>, vector<1024x768xf32> -> vector<1024x768xf32>
      %add3A = arith.addf %dot_general3A_52, %dot_general3A_58 : vector<1024x768xf32>
      %get3A_59 = arith.constant 0 : index
      %get3A_60 = arith.constant 0 : index
      %get3A_61 = vector.load %arg19[%get3A_59, %get3A_60] : memref<1x768xf32, #tpu.memory_space<vmem>>, vector<1x768xf32>
      %add3A_62 = vector.broadcast %get3A_61 : vector<1x768xf32> to vector<1024x768xf32>
      %add3A_63 = arith.addf %add3A, %add3A_62 : vector<1024x768xf32>
      %mul3A = arith.constant 1024 : i32
      %mul3A_64 = arith.muli %arg1, %mul3A : i32
      %get3A_65 = arith.index_cast %mul3A_64 : i32 to index
      %get3A_66 = arith.constant 0 : index
      %get3A_67 = vector.load %arg23[%get3A_65, %get3A_66] : memref<8192x1xf32, #tpu.memory_space<vmem>>, vector<1024x1xf32>
      %add3A_68 = arith.constant 2.047000e+03 : f32
      %add3A_69 = vector.broadcast %add3A_68 : f32 to vector<1024x1xf32>
      %add3A_70 = arith.addf %get3A_67, %add3A_69 : vector<1024x1xf32>
      %get3A_71 = arith.index_cast %select_n3A : i32 to index
      %get3A_72 = arith.constant 0 : index
      %get3A_73 = vector.load %arg22[%get3A_71, %get3A_72] : memref<4x768xf32, #tpu.memory_space<vmem>>, vector<1x768xf32>
      %sub3A_74 = arith.constant 1.000000e+00 : f32
      %sub3A_75 = vector.broadcast %sub3A_74 : f32 to vector<1024x1xf32>
      %sub3A_76 = arith.subf %get3A_67, %sub3A_75 : vector<1024x1xf32>
      %mul3A_77 = vector.broadcast %sub3A_76 : vector<1024x1xf32> to vector<1024x768xf32>
      %mul3A_78 = arith.mulf %mul3A_77, %add3A_63 : vector<1024x768xf32>
      %add3A_79 = vector.broadcast %get3A_73 : vector<1x768xf32> to vector<1024x768xf32>
      %add3A_80 = arith.addf %add3A_79, %mul3A_78 : vector<1024x768xf32>
      %div3A_81 = vector.broadcast %add3A_70 : vector<1024x1xf32> to vector<1024x768xf32>
      %div3A_82 = arith.divf %add3A_80, %div3A_81 : vector<1024x768xf32>
      %get3A_83 = arith.constant 0 : index
      %get3A_84 = arith.constant 0 : index
      %get3A_85 = vector.load %arg12[%get3A_83, %get3A_84] : memref<1x768xf32, #tpu.memory_space<vmem>>, vector<1x768xf32>
      %add3A_86 = vector.broadcast %get3A_85 : vector<1x768xf32> to vector<1024x768xf32>
      %add3A_87 = arith.addf %div3A_82, %add3A_86 : vector<1024x768xf32>
      %swap3A = arith.constant 0 : index
      %swap3A_88 = arith.constant 0 : index
      %swap3A_89 = vector.load %arg14[%swap3A, %swap3A_88] : memref<1024x768xf32, #tpu.memory_space<vmem>>, vector<1024x768xf32>
      tpu.vector_store %arg14[%swap3A, %swap3A_88], %add3A_87 {strides = array<i32>} : memref<1024x768xf32, #tpu.memory_space<vmem>>, vector<1024x768xf32>,
    } else {
    }
    return
  }
  func.func @transform_0(%arg0: i32, %arg1: i32) -> (i32, i32) {
    %eq3A = arith.constant 0 : i32
    %eq3A_0 = arith.cmpi eq, %arg0, %eq3A : i32
    %jit3A = arith.constant 7 : i32
    %select_n3A = arith.select %eq3A_0, %arg1, %jit3A : i32
    %c0_i32 = arith.constant 0 : i32
    %c0_i32_1 = arith.constant 0 : i32
    return %select_n3A, %c0_i32 : i32, i32
  }
  func.func @transform_1(%arg0: i32, %arg1: i32) -> (i32, i32) {
    %eq3A = arith.constant 0 : i32
    %eq3A_0 = arith.cmpi eq, %arg0, %eq3A : i32
    %jit3A = arith.constant 7 : i32
    %select_n3A = arith.select %eq3A_0, %arg1, %jit3A : i32
    %c0_i32 = arith.constant 0 : i32
    %c0_i32_1 = arith.constant 0 : i32
    return %select_n3A, %c0_i32 : i32, i32
  }
  func.func @transform_2(%arg0: i32, %arg1: i32) -> (i32, i32) {
    %eq3A = arith.constant 0 : i32
    %eq3A_0 = arith.cmpi eq, %arg0, %eq3A : i32
    %jit3A = arith.constant 0 : i32
    %select_n3A = arith.select %eq3A_0, %jit3A, %arg1 : i32
    %c0_i32 = arith.constant 0 : i32
    %c0_i32_1 = arith.constant 0 : i32
    return %select_n3A, %c0_i32 : i32, i32
  }
  func.func @transform_3(%arg0: i32, %arg1: i32) -> (i32, i32) {
    %c0_i32 = arith.constant 0 : i32
    %c0_i32_0 = arith.constant 0 : i32
    %c0_i32_1 = arith.constant 0 : i32
    return %c0_i32, %c0_i32_0 : i32, i32
  }
  func.func @transform_4(%arg0: i32, %arg1: i32) -> (i32, i32) {
    %c0_i32 = arith.constant 0 : i32
    %c0_i32_0 = arith.constant 0 : i32
    %c0_i32_1 = arith.constant 0 : i32
    return %c0_i32, %c0_i32_0 : i32, i32
  }
  func.func @transform_5(%arg0: i32, %arg1: i32) -> (i32, i32) {
    %c0_i32 = arith.constant 0 : i32
    %c0_i32_0 = arith.constant 0 : i32
    %c0_i32_1 = arith.constant 0 : i32
    return %c0_i32, %c0_i32_0 : i32, i32
  }
  func.func @transform_6(%arg0: i32, %arg1: i32) -> (i32, i32) {
    %c0_i32 = arith.constant 0 : i32
    %c0_i32_0 = arith.constant 0 : i32
    %c0_i32_1 = arith.constant 0 : i32
    return %c0_i32, %c0_i32_0 : i32, i32
  }
  func.func @transform_7(%arg0: i32, %arg1: i32) -> (i32, i32) {
    %c0_i32 = arith.constant 0 : i32
    %c0_i32_0 = arith.constant 0 : i32
    %c0_i32_1 = arith.constant 0 : i32
    return %c0_i32, %c0_i32_0 : i32, i32
  }
  func.func @transform_8(%arg0: i32, %arg1: i32) -> (i32, i32) {
    %c0_i32 = arith.constant 0 : i32
    %c0_i32_0 = arith.constant 0 : i32
    %c0_i32_1 = arith.constant 0 : i32
    return %c0_i32, %c0_i32_0 : i32, i32
  }
  func.func @transform_9(%arg0: i32, %arg1: i32) -> (i32, i32) {
    %c0_i32 = arith.constant 0 : i32
    %c0_i32_0 = arith.constant 0 : i32
    %c0_i32_1 = arith.constant 0 : i32
    return %c0_i32, %c0_i32_0 : i32, i32
  }
  func.func @transform_10(%arg0: i32, %arg1: i32) -> (i32, i32) {
    %c0_i32 = arith.constant 0 : i32
    %c0_i32_0 = arith.constant 0 : i32
    %c0_i32_1 = arith.constant 0 : i32
    return %c0_i32, %c0_i32_0 : i32, i32
  }
  func.func @transform_11(%arg0: i32, %arg1: i32) -> (i32, i32) {
    %c0_i32 = arith.constant 0 : i32
    %c0_i32_0 = arith.constant 0 : i32
    %c0_i32_1 = arith.constant 0 : i32
    return %c0_i32, %c0_i32_0 : i32, i32
  }
  func.func @transform_12(%arg0: i32, %arg1: i32) -> (i32, i32) {
    %eq3A = arith.constant 0 : i32
    %eq3A_0 = arith.cmpi eq, %arg0, %eq3A : i32
    %jit3A = arith.constant 0 : i32
    %select_n3A = arith.select %eq3A_0, %jit3A, %arg1 : i32
    %c0_i32 = arith.constant 0 : i32
    %c0_i32_1 = arith.constant 0 : i32
    return %select_n3A, %c0_i32 : i32, i32
  }
}

</mosaic_0001>

<sc_bundles>
// kernel: kernel.5.cloned.1.call-start
scs
__scs_entry_jumppad:
0x0: {  	(pc) =	sbr.rel $0x88, $3  }
0x1: {  	(tag) =	ssettag $0x0;
	lr =	simm.s32 $0x1  }
0x2: {  	[smem:$0x3F96] =	sst lr;
	_ =	strace $0xD0000000  }
0x3: {  	_ = 	snop  }
0x4: {  	_ = 	snop  }
0x5: {  	_ = 	snop  }
0x6: {  	_ = 	snop  }
0x7: {  	_ = 	snop  }
__scs_overlays_trampoline_lowered:
0x8: {  	[smem:$0x3FA5] =	sst s0  }
0x9: {  	[smem:$0x3FA6] =	sst s1  }
0xa: {  	[smem:$0x3FA7] =	sst s2  }
0xb: {  	[smem:$0x3FA8] =	sst s3  }
0xc: {  	[smem:$0x3FA9] =	sst s4  }
0xd: {  	[smem:$0x3FAA] =	sst s5  }
0xe: {  	[smem:$0x3FAB] =	sst s6  }
0xf: {  	[smem:$0x3FAC] =	sst s7  }
0x10: {  	[smem:$0x3FAD] =	sst s8  }
0x11: {  	[smem:$0x3FAE] =	sst s9;
	s0 =	simm.s32 @!p0 $0x0  }
0x12: {  	s1 =	sld [smem:$0x3F94];
	s0 =	simm.s32 @p0 $0x1  }
0x13: {  	[smem:$0x3FAF] =	sst s0;
	s0 =	simm.s32 @!p1 $0x0  }
0x14: {  	s2 =	sld [smem:$0x3F93];
	s0 =	simm.s32 @p1 $0x1  }
0x15: {  	[smem:$0x3FB0] =	sst s0;
	s0 =	simm.s32 @!p2 $0x0  }
0x16: {  	s3 =	sld [smem:$0x3FDB];
	s0 =	simm.s32 @p2 $0x1  }
0x17: {  	s4 =	simm.s32 $0x1BF5;
	[smem:$0x3FB2] =	sst s0  }
0x18: {  	s0 =	sld [smem:$0x3F95];
	_ =	swait.ge [sflag:s4], $0x0  }
0x19: {  	s7 =	sld [smem:$0x3F96]  }
0x1a: {  	s8 =	sadd.s32 $0xFFFFE003, lr  }
0x1b: {  	s9 =	sadd.s32 $0xFFFFFEF7, lr;
	s5 =	simm.s32 $0xFFFFFFFF;
	p2 =	slt.u32 s8, $0xFFFFF086  }
0x1c: {  	p1 =	slt.u32 s9, $0xF7A;
	s5 =	simm.s32 @!p2 $0x0  }
0x1d: {  	s5 =	simm.s32 @p1 $0x1;
	p0 =	seq.s32 s7, s2  }
0x1e: {  	s7 =	smul.u32 @!p0 $0xF7A, s2;
	p2 =	seq.s32 @!p0 s5, $0x0  }
0x1f: {  	s9 =	smul.u32 $0xF7A, s1;
	s8 =	simm.s32 @!p0 $0x1BF5;
	p2 =	por !p2, p0  }
0x20: {  	[sflag:s8] =	ssyncset.s32 @!p0 $0xFFFFF086;
	s6 =	sadd.s32 @!p0 s3, s7;
	s7 =	simm.s32 @!p0 $0x108  }
0x21: {  	s3 =	sadd.s32 s3, s9;
	s6 =	sadd.s32 @!p0 $0x88, s6;
	s7 =	simm.s32 @p2 $0x1082  }
0x22: {  	[simem:s7], [sflag:s8] =	dma.local @!p0 [hbm:s6], $0xF7A  }
0x23: {  	s9 =	sor.u32 $0xD0000000, s2;
	s6 =	simm.s32 $0x108;
	_ =	swait.ge @!p0 [sflag:s8], $0x0  }
0x24: {  	s3 =	sadd.s32 $0x88, s3;
	s6 =	simm.s32 @!p1 $0x1082;
	[sflag:s4] =	ssyncset.s32 $0xFFFFF086  }
0x25: {  	[simem:s6], [sflag:s4] =	dma.local [hbm:s3], $0xF7A  }
0x26: {  	[smem:$0x3F96] =	sst s1;
	(tag) =	ssettag s2;
	_ =	strace s9  }
0x27: {  	s1 =	sld [smem:$0x3FA6]  }
0x28: {  	s2 =	sld [smem:$0x3FA7]  }
0x29: {  	s4 =	sld [smem:$0x3FA9]  }
0x2a: {  	p0 =	seq.s32 s5, $0x0;
	s5 =	sld [smem:$0x3FAA]  }
0x2b: {  	s6 =	sld [smem:$0x3FAB]  }
0x2c: {  	s7 =	sld [smem:$0x3FAC]  }
0x2d: {  	s3 =	simm.s32 $0x108;
	s8 =	sld [smem:$0x3FAD]  }
0x2e: {  	s3 =	simm.s32 @!p0 $0x1082;
	s9 =	sld [smem:$0x3FAE]  }
0x2f: {  	lr =	sadd.s32 s0, s3;
	s0 =	sld [smem:$0x3FA5]  }
0x30: {  	s3 =	sld [smem:$0x3FA8]  }
0x31: {  	[smem:$0x3FB1] =	sst s10  }
0x32: {  	s10 =	sld [smem:$0x3FAF];
	_ =	sdelay $0x3  }
0x33: {  	p0 =	seq.s32 s10, $0x1;
	s10 =	sld [smem:$0x3FB1];
	_ =	sdelay $0x3  }
0x34: {  	[smem:$0x3FB1] =	sst s10  }
0x35: {  	s10 =	sld [smem:$0x3FB0];
	_ =	sdelay $0x3  }
0x36: {  	p1 =	seq.s32 s10, $0x1;
	s10 =	sld [smem:$0x3FB1];
	_ =	sdelay $0x3  }
0x37: {  	[smem:$0x3FB1] =	sst s10  }
0x38: {  	s10 =	sld [smem:$0x3FB2]  }
0x39: {  	_ = 	snop;
	(pc) =	sbr.ind lr, $3  }
0x3a: {  	_ = 	snop  }
0x3b: {  	_ = 	snop  }
0x3c: {  	p2 =	seq.s32 s10, $0x1;
	s10 =	sld [smem:$0x3FB1]  }
0x3d: {  	_ =	shalt  }
0x3e: {  	_ =	shalt  }
0x3f: {  	_ =	shalt  }
0x40: {  	_ =	shalt  }
0x41: {  	_ =	shalt  }
0x42: {  	_ =	shalt  }
0x43: {  	_ =	shalt  }
0x44: {  	_ =	shalt  }
0x45: {  	_ =	shalt  }
0x46: {  	_ =	shalt  }
0x47: {  	_ =	shalt  }
0x48: {  	_ =	shalt  }
0x49: {  	_ =	shalt  }
0x4a: {  	_ =	shalt  }
0x4b: {  	_ =	shalt  }
0x4c: {  	_ =	shalt  }
0x4d: {  	_ =	shalt  }
0x4e: {  	_ =	shalt  }
0x4f: {  	_ =	shalt  }
0x50: {  	_ =	shalt  }
0x51: {  	_ =	shalt  }
0x52: {  	_ =	shalt  }
0x53: {  	_ =	shalt  }
0x54: {  	_ =	shalt  }
0x55: {  	_ =	shalt  }
0x56: {  	_ =	shalt  }
0x57: {  	_ =	shalt  }
0x58: {  	_ =	shalt  }
0x59: {  	_ =	shalt  }
0x5a: {  	_ =	shalt  }
0x5b: {  	_ =	shalt  }
0x5c: {  	_ =	shalt  }
0x5d: {  	_ =	shalt  }
0x5e: {  	_ =	shalt  }
0x5f: {  	_ =	shalt  }
0x60: {  	_ =	shalt  }
0x61: {  	_ =	shalt  }
0x62: {  	_ =	shalt  }
0x63: {  	_ =	shalt  }
0x64: {  	_ =	shalt  }
0x65: {  	_ =	shalt  }
0x66: {  	_ =	shalt  }
0x67: {  	_ =	shalt  }
0x68: {  	_ =	shalt  }
0x69: {  	_ =	shalt  }
0x6a: {  	_ =	shalt  }
0x6b: {  	_ =	shalt  }
0x6c: {  	_ =	shalt  }
0x6d: {  	_ =	shalt  }
0x6e: {  	_ =	shalt  }
0x6f: {  	_ =	shalt  }
0x70: {  	_ =	shalt  }
0x71: {  	_ =	shalt  }
0x72: {  	_ =	shalt  }
0x73: {  	_ =	shalt  }
0x74: {  	_ =	shalt  }
0x75: {  	_ =	shalt  }
0x76: {  	_ =	shalt  }
0x77: {  	_ =	shalt  }
0x78: {  	_ =	shalt  }
0x79: {  	_ =	shalt  }
0x7a: {  	_ =	shalt  }
0x7b: {  	_ =	shalt  }
0x7c: {  	_ =	shalt  }
0x7d: {  	_ =	shalt  }
0x7e: {  	_ =	shalt  }
0x7f: {  	_ =	shalt  }
0x80: {  	_ =	shalt  }
0x81: {  	_ =	shalt  }
0x82: {  	_ =	shalt  }
0x83: {  	_ =	shalt  }
0x84: {  	_ =	shalt  }
0x85: {  	_ =	shalt  }
0x86: {  	_ =	shalt  }
0x87: {  	_ =	shalt  }
.Lfunc_end0:
.L_simem_size_0:
called_computation_lowered:
.L_overlay_start_0:
0x88: {  	s2 =	sld [smem:$0x3FD9]  }
0x89: {  	s3 =	sld [smem:$0x3FFE];
	_ =	sdelay $0x1  }
0x8a: {  	s1 =	srdreg.scid  }
0x8b: {  	s0 =	sand.u32 $0x1, s1  }
0x8c: {  	s17 =	sshll.u32 s0, $0xA;
	s2 =	sadd.s32 s3, s2  }
0x8d: {  	s2 =	sadd.s32 s2, s17  }
0x8e: {  	[smem:$0x3FBD] =	sst s2  }
0x8f: {  	_ = 	snop  }
0x90: {  	s2 =	sld [smem:$0x3FC8]  }
0x91: {  	s18 =	sld [smem:$0x3FD0];
	(tm) =	ssettm $0x1  }
0x92: {  	s4 =	sld [smem:$0x3FFB];
	_ =	sdelay $0x3  }
0x93: {  	_ =	strace s4  }
0x94: {  	s4 =	sld [smem:$0x3FFC];
	_ =	sdelay $0x3  }
0x95: {  	_ =	strace s4  }
0x96: {  	s4 =	sld [smem:$0x3FFD];
	_ =	sdelay $0x3  }
0x97: {  	_ =	strace s4  }
0x98: {  	_ =	strace $0x8FFFFFFF  }
0x99: {  	s19 =	sld [smem:$0x3FDB];
	_ =	sdelay $0x1  }
0x9a: {  	s5 =	simm.s32 $_scs_section_size  }
0x9b: {  	s6 =	simm.s32 $_size__tile_overlayer_lowered;
	s7 =	simm.s32 $_tile_overlayer_lowered  }
0x9c: {  	s22 =	simm.s32 $0x1BFF;
	s21 =	sshll.u32 s7, $0x1;
	s4 =	sadd.s32 s5, s19  }
0x9d: {  	s8 =	simm.s32 $0x0;
	s20 =	sshll.u32 s6, $0x1;
	s6 =	sadd.s32 s21, s4  }
0x9e: {  	[timem:s8], [sflag:s22] =	dma.local [hbm:s6], s20  }
0x9f: {  	_ =	swait.ge [sflag:s22], s20  }
0xa0: {  	s5 =	ssub.s32 $0x0, s20;
	[sflag:s22] =	ssyncset.done $0x0  }
0xa1: {  	[sflag:s22] =	ssyncadd.s32 s5;
	_ =	sdelay $0x1  }
0xa2: {  	s23 =	simm.s32 $0x1B8B  }
0xa3: {  	_ =	swait.ge [sflag:s23], $0x1  }
0xa4: {  	[sflag:s23] =	ssyncset.done $0x0  }
0xa5: {  	s25 =	simm.s32 $0x1B8E;
	s24 =	sld [smem:$0x3FFE];
	[sflag:s23] =	ssyncadd.s32 $0xFFFFFFFF  }
0xa6: {  	s26 =	simm.s32 $execute0_lowered;
	[smem:$0x3FD2] =	sst s25  }
0xa7: {  	s6 =	sshll.u32 s26, $0x1;
	_ =	strace $0x80000046;
	[dreg:$0x1] =	wrdreg $0xFFFFFFFF  }
0xa8: {  	s28 =	simm.s32 $_size_execute0_lowered;
	s4 =	sadd.s32 s4, s6;
	[dreg:$0x0] =	wrdreg $0x0  }
0xa9: {  	s6 =	sshll.u32 s28, $0x1;
	[dreg:$0x2] =	wrdreg s4  }
0xaa: {  	[dreg:$0x3] =	wrdreg s6  }
0xab: {  	[dreg:$0x4] =	wrdreg $0xC0  }
0xac: {  	_ =	task [dreg:s8], $0x5FFFF  }
0xad: {  	[dreg:$0x1] =	wrdreg $0xFFFFFFFF  }
0xae: {  	[dreg:$0x0] =	wrdreg $0x60  }
0xaf: {  	[dreg:$0x2] =	wrdreg s18  }
0xb0: {  	[dreg:$0x3] =	wrdreg s2  }
0xb1: {  	[dreg:$0x4] =	wrdreg s24  }
0xb2: {  	[dreg:$0x5] =	wrdreg $0x9  }
0xb3: {  	_ =	task.clear_ibuf [dreg:s8], $0x6FFFF;
	_ =	strace $0x90000046  }
0xb4: {  	s29 =	simm.s32 $0x9;
	_ =	strace $0x80000048  }
0xb5: {  	_ =	swait.ge [sflag:s29], $0x1  }
0xb6: {  	[sflag:s29] =	ssyncadd.s32 $0xFFFFFFFF  }
0xb7: {  	_ =	strace $0x90000048  }
0xb8: {  	_ =	sfence  }
0xb9: {  	s30 =	sld [smem:$0x0];
	_ =	sdelay $0x2  }
0xba: {  	s31 =	sshll.u32 s1, $0xD;
	s1 =	sshrl.u32 s1, $0x2  }
0xbb: {  	s3 =	sand.u32 $0x4000, s31;
	s1 =	sadd.s32 s1, s30  }
0xbc: {  	s0 =	sor.u32 s3, s0;
	s1 =	sshll.u32 s1, $0x11  }
0xbd: {  	s0 =	sor.u32 s1, s0  }
0xbe: {  	s0 =	sadd.s32 $0x8F2B, s0  }
0xbf: {  	[sflag:s0] =	ssyncadd.remote.s32 $0x1  }
0xc0: {  	_ =	sfence.sel $0xFFFF  }
0xc1: {  	[dreg:$0x0] =	wrdreg $0xFFFFFFFF;
	(pc) =	sbr.abs _section_cstart, $3  }
0xc2: {  	[dreg:$0x1] =	wrdreg $0xFFFFFFFF  }
0xc3: {  	_ =	task.clear_ibuf [dreg:s8], $0x2FFFF;
	_ =	strace $0x9FFFFFFF  }
0xc4: {  	(tm) =	ssettm $0x7FFFFFFF  }
0xc5: {  	_ =	shalt  }
tec
execute0_lowered:
.L_overlay_start_1:
0x0: {  	(tag) =	ssettag $0x1  }
0x1: {  	s1 =	rddreg [dreg:$0x0]  }
0x2: {  	s0 =	srdreg.scid;
	s2 =	rddreg [dreg:$0x1]  }
0x3: {  	s3 =	stileid.u32;
	s4 =	rddreg [dreg:$0x2];
	s16 =	simm.s32 $0x1  }
0x4: {  	s17 =	simm.s32 $0xA00;
	s31 =	simm.s32 $0x1200;
	s11 =	simm.s32 $0x2E00  }
0x5: {  	s12 =	simm.s32 $0x3600;
	s13 =	simm.s32 $0x3A00;
	s14 =	simm.s32 $0x4200  }
0x6: {  	s15 =	simm.s32 $0x4600;
	s18 =	simm.s32 $0x4E00;
	s19 =	simm.s32 $0x5200  }
0x7: {  	s21 =	simm.s32 $0x5E00;
	s22 =	simm.s32 $0x6600;
	s23 =	simm.s32 $0x6A00  }
0x8: {  	s24 =	simm.s32 $0x7200;
	s28 =	simm.s32 $0x8E00;
	s29 =	simm.s32 $0x9600  }
0x9: {  	s0 =	sand.u32 $0x1, s0;
	[dreg:$0x4] =	wrdreg s2;
	s25 =	sshll.u32 s3, $0x9  }
0xa: {  	s3 =	simm.s32 $0x0;
	s8 =	sadd.s32 $0x1C00, s4;
	s26 =	sshll.u32 s0, $0x8  }
0xb: {  	s4 =	sadd.s32 $0x61C00, s4;
	s2 =	simm.s32 $0xCA00;
	s5 =	sor.u32 s26, s25  }
0xc: {  	[smem:$0x7FF] =	sst s3;
	s0 =	ssub.s32 $0x2, s0;
	s6 =	sshrl.u32 s5, $0x3  }
0xd: {  	s20 =	sand.u32 $0x1800, s25;
	_ =	strace $0x80000047;
	s7 =	smul.u32 $0xC00, s6  }
0xe: {  	s10 =	sshrl.u32 s0, $0x1;
	v0 =	vmov s20;
	s20 =	simm.s32 $0x5A00;
	s6 =	smul.u32 $0x180, s6  }
0xf: {  	s25 =	simm.s32 $0x7600;
	s26 =	simm.s32 $0x7E00;
	s0 =	ssub.s32 s0, s10  }
0x10: {  	s10 =	simm.s32 $0x2A00;
	s7 =	sshrl.u32 s7, $0x3;
	s9 =	sadd.s32 s8, s6  }
0x11: {  	s6 =	sadd.s32 s4, s6;
	s7 =	sadd.s32 $0x1800, s7;
	[dreg:$0x5] =	wrdreg s9  }
0x12: {  	v3 =	vlaneseq.u32;
	[dreg:$0x7] =	wrdreg s6;
	s6 =	smax.u32 s0, $0x1;
	s8 =	sadd.s32 s8, s7  }
0x13: {  	vm0 =	vmmov $0xffff;
	vm1 =	vmmov $0xff;
	v2 =	vshrl.u32 v3, $0x3;
	s9 =	simm.s32 $0x2200;
	s30 =	sadd.s32 s4, s7;
	[dreg:$0x6] =	wrdreg s8  }
0x14: {  	v1 =	vand.u32 $0x7, v3;
	v3 =	vor.u32 $0x8, v3;
	v2 =	vmul.u32 $0x8, v2;
	s4 =	sand.u32 $0x700, s5;
	s5 =	sadd.s32 $0x100, s1;
	[dreg:$0x8] =	wrdreg s30  }
.LBB2_1:
0x15: {  	s30 =	rddreg [dreg:$0x4];
	s0 =	simm.s32 $0x4  }
0x16: {  	[tilespmem:s3], [sflag:$0x4] =	stream.linear.gather [hbm4b:s30+s3], $0x800, $0x38;
	[tilespmem:$0x18A00] =	vst v63  }
0x17: {  	_ =	swait.ge [sflag:s0], $0x800  }
0x18: {  	[sflag:s0] =	ssyncset.done $0x0  }
0x19: {  	[sflag:s0] =	ssyncadd.s32 $0xFFFFF800  }
0x1a: {  	v4 =	vld [tilespmem:s4+$0x0];
	_ =	sdelay $0x7  }
0x1b: {  	v5 =	vld.idx.msk [tilespmem:v4+s3+$0x0], $0xffff;
	_ =	sdelay $0x3  }
0x1c: {  	v4 =	vadd.s32 v0, v4  }
0x1d: {  	[tilespmem:$0x800] =	vst v4;
	v4 =	vadd.s32 v0, v5  }
0x1e: {  	[tilespmem:$0x900] =	vst v4  }
0x1f: {  	v4 =	vld [tilespmem:s4+$0x10];
	_ =	sdelay $0x7  }
0x20: {  	v5 =	vld.idx.msk [tilespmem:v4+s3+$0x0], $0xffff;
	_ =	sdelay $0x3  }
0x21: {  	v4 =	vadd.s32 v0, v4  }
0x22: {  	[tilespmem:$0x810] =	vst v4;
	v4 =	vadd.s32 v0, v5  }
0x23: {  	[tilespmem:$0x910] =	vst v4  }
0x24: {  	v4 =	vld [tilespmem:s4+$0x20];
	_ =	sdelay $0x7  }
0x25: {  	v5 =	vld.idx.msk [tilespmem:v4+s3+$0x0], $0xffff;
	_ =	sdelay $0x3  }
0x26: {  	v4 =	vadd.s32 v0, v4  }
0x27: {  	[tilespmem:$0x820] =	vst v4;
	v4 =	vadd.s32 v0, v5  }
0x28: {  	[tilespmem:$0x920] =	vst v4  }
0x29: {  	v4 =	vld [tilespmem:s4+$0x30];
	_ =	sdelay $0x7  }
0x2a: {  	v5 =	vld.idx.msk [tilespmem:v4+s3+$0x0], $0xffff;
	_ =	sdelay $0x3  }
0x2b: {  	v4 =	vadd.s32 v0, v4  }
0x2c: {  	[tilespmem:$0x830] =	vst v4;
	v4 =	vadd.s32 v0, v5  }
0x2d: {  	[tilespmem:$0x930] =	vst v4  }
0x2e: {  	v4 =	vld [tilespmem:s4+$0x40];
	_ =	sdelay $0x7  }
0x2f: {  	v5 =	vld.idx.msk [tilespmem:v4+s3+$0x0], $0xffff;
	_ =	sdelay $0x3  }
0x30: {  	v4 =	vadd.s32 v0, v4  }
0x31: {  	[tilespmem:$0x840] =	vst v4;
	v4 =	vadd.s32 v0, v5  }
0x32: {  	[tilespmem:$0x940] =	vst v4  }
0x33: {  	v4 =	vld [tilespmem:s4+$0x50];
	_ =	sdelay $0x7  }
0x34: {  	v5 =	vld.idx.msk [tilespmem:v4+s3+$0x0], $0xffff;
	_ =	sdelay $0x3  }
0x35: {  	v4 =	vadd.s32 v0, v4  }
0x36: {  	[tilespmem:$0x850] =	vst v4;
	v4 =	vadd.s32 v0, v5  }
0x37: {  	[tilespmem:$0x950] =	vst v4  }
0x38: {  	v4 =	vld [tilespmem:s4+$0x60];
	_ =	sdelay $0x7  }
0x39: {  	v5 =	vld.idx.msk [tilespmem:v4+s3+$0x0], $0xffff;
	_ =	sdelay $0x3  }
0x3a: {  	v4 =	vadd.s32 v0, v4  }
0x3b: {  	[tilespmem:$0x860] =	vst v4;
	v4 =	vadd.s32 v0, v5  }
0x3c: {  	[tilespmem:$0x960] =	vst v4  }
0x3d: {  	v4 =	vld [tilespmem:s4+$0x70];
	_ =	sdelay $0x7  }
0x3e: {  	v5 =	vld.idx.msk [tilespmem:v4+s3+$0x0], $0xffff;
	_ =	sdelay $0x3  }
0x3f: {  	v4 =	vadd.s32 v0, v4  }
0x40: {  	[tilespmem:$0x870] =	vst v4;
	v4 =	vadd.s32 v0, v5  }
0x41: {  	[tilespmem:$0x970] =	vst v4  }
0x42: {  	v4 =	vld [tilespmem:s4+$0x80];
	_ =	sdelay $0x7  }
0x43: {  	v5 =	vld.idx.msk [tilespmem:v4+s3+$0x0], $0xffff;
	_ =	sdelay $0x3  }
0x44: {  	v4 =	vadd.s32 v0, v4  }
0x45: {  	[tilespmem:$0x880] =	vst v4;
	v4 =	vadd.s32 v0, v5  }
0x46: {  	[tilespmem:$0x980] =	vst v4  }
0x47: {  	v4 =	vld [tilespmem:s4+$0x90];
	_ =	sdelay $0x7  }
0x48: {  	v5 =	vld.idx.msk [tilespmem:v4+s3+$0x0], $0xffff;
	_ =	sdelay $0x3  }
0x49: {  	v4 =	vadd.s32 v0, v4  }
0x4a: {  	[tilespmem:$0x890] =	vst v4;
	v4 =	vadd.s32 v0, v5  }
0x4b: {  	[tilespmem:$0x990] =	vst v4  }
0x4c: {  	v4 =	vld [tilespmem:s4+$0xA0];
	_ =	sdelay $0x7  }
0x4d: {  	v5 =	vld.idx.msk [tilespmem:v4+s3+$0x0], $0xffff;
	_ =	sdelay $0x3  }
0x4e: {  	v4 =	vadd.s32 v0, v4  }
0x4f: {  	[tilespmem:$0x8A0] =	vst v4;
	v4 =	vadd.s32 v0, v5  }
0x50: {  	[tilespmem:$0x9A0] =	vst v4  }
0x51: {  	v4 =	vld [tilespmem:s4+$0xB0];
	_ =	sdelay $0x7  }
0x52: {  	v5 =	vld.idx.msk [tilespmem:v4+s3+$0x0], $0xffff;
	_ =	sdelay $0x3  }
0x53: {  	v4 =	vadd.s32 v0, v4  }
0x54: {  	[tilespmem:$0x8B0] =	vst v4;
	v4 =	vadd.s32 v0, v5  }
0x55: {  	[tilespmem:$0x9B0] =	vst v4  }
0x56: {  	v4 =	vld [tilespmem:s4+$0xC0];
	_ =	sdelay $0x7  }
0x57: {  	v5 =	vld.idx.msk [tilespmem:v4+s3+$0x0], $0xffff;
	_ =	sdelay $0x3  }
0x58: {  	v4 =	vadd.s32 v0, v4  }
0x59: {  	[tilespmem:$0x8C0] =	vst v4;
	v4 =	vadd.s32 v0, v5  }
0x5a: {  	[tilespmem:$0x9C0] =	vst v4  }
0x5b: {  	v4 =	vld [tilespmem:s4+$0xD0];
	_ =	sdelay $0x7  }
0x5c: {  	v5 =	vld.idx.msk [tilespmem:v4+s3+$0x0], $0xffff;
	_ =	sdelay $0x3  }
0x5d: {  	v4 =	vadd.s32 v0, v4  }
0x5e: {  	[tilespmem:$0x8D0] =	vst v4;
	v4 =	vadd.s32 v0, v5  }
0x5f: {  	[tilespmem:$0x9D0] =	vst v4  }
0x60: {  	v4 =	vld [tilespmem:s4+$0xE0];
	_ =	sdelay $0x7  }
0x61: {  	v5 =	vld.idx.msk [tilespmem:v4+s3+$0x0], $0xffff;
	_ =	sdelay $0x3  }
0x62: {  	v4 =	vadd.s32 v0, v4  }
0x63: {  	[tilespmem:$0x8E0] =	vst v4;
	v4 =	vadd.s32 v0, v5  }
0x64: {  	[tilespmem:$0x9E0] =	vst v4;
	v4 =	vld [tilespmem:$0x800]  }
0x65: {  	v5 =	vld [tilespmem:s4+$0xF0];
	_ =	sdelay $0x3  }
0x66: {  	v6 =	vshrl.u32 v4, $0x3  }
0x67: {  	v6 =	vmul.u32 $0x18, v6  }
0x68: {  	v4 =	vand.u32 $0x7, v4  }
0x69: {  	v4 =	vor.u32 v4, v6  }
0x6a: {  	v63 =	vld.idx.msk [tilespmem:v5+s3+$0x0], $0xffff;
	v7 =	vperm.xlane v4, v1;
	_ =	sdelay $0x1  }
0x6b: {  	v7 =	vadd.s32 v2, v7;
	_ =	sdelay $0x1  }
0x6c: {  	v5 =	vadd.s32 v0, v5;
	v4 =	vperm.xlane v4, v3  }
0x6d: {  	[tilespmem:$0x8F0] =	vst v5;
	v5 =	vadd.s32 v0, v63  }
0x6e: {  	v4 =	vadd.s32 v2, v4;
	[tilespmem:$0x9F0] =	vst v5  }
0x6f: {  	[tilespmem:s17], [sflag:$0x1] =	stream.indirect_vreg.gather [hbm4b:s1+s3], $0x80, v7, vm0, $0xb8;
	[tilespmem:$0x18A00] =	vst v63  }
0x70: {  	_ = 	snop  }
0x71: {  	[tilespmem:s31], [sflag:$0x1] =	stream.indirect_vreg.gather [hbm4b:s5+s3], $0x80, v7, vm1, $0xb8;
	[tilespmem:$0x18A00] =	vst v63  }
0x72: {  	s7 =	simm.s32 $0x1600  }
0x73: {  	[tilespmem:s7], [sflag:$0x1] =	stream.indirect_vreg.gather [hbm4b:s1+s3], $0x80, v4, vm0, $0xb8;
	[tilespmem:$0x18A00] =	vst v63  }
0x74: {  	s8 =	simm.s32 $0x1E00  }
0x75: {  	[tilespmem:s8], [sflag:$0x1] =	stream.indirect_vreg.gather [hbm4b:s5+s3], $0x80, v4, vm1, $0xb8;
	[tilespmem:$0x18A00] =	vst v63  }
0x76: {  	v4 =	vld [tilespmem:$0x810];
	_ =	sdelay $0x4  }
0x77: {  	v5 =	vshrl.u32 v4, $0x3  }
0x78: {  	v5 =	vmul.u32 $0x18, v5  }
0x79: {  	v4 =	vand.u32 $0x7, v4  }
0x7a: {  	v4 =	vor.u32 v4, v5  }
0x7b: {  	v5 =	vperm.xlane v4, v1;
	_ =	sdelay $0x1  }
0x7c: {  	v5 =	vadd.s32 v2, v5;
	_ =	sdelay $0x1  }
0x7d: {  	v4 =	vperm.xlane v4, v3;
	_ =	sdelay $0x1  }
0x7e: {  	v4 =	vadd.s32 v2, v4  }
0x7f: {  	[tilespmem:s9], [sflag:$0x1] =	stream.indirect_vreg.gather [hbm4b:s1+s3], $0x80, v5, vm0, $0xb8;
	[tilespmem:$0x18A00] =	vst v63  }
0x80: {  	_ = 	snop  }
0x81: {  	[tilespmem:s10], [sflag:$0x1] =	stream.indirect_vreg.gather [hbm4b:s5+s3], $0x80, v5, vm1, $0xb8;
	[tilespmem:$0x18A00] =	vst v63  }
0x82: {  	_ = 	snop  }
0x83: {  	[tilespmem:s11], [sflag:$0x1] =	stream.indirect_vreg.gather [hbm4b:s1+s3], $0x80, v4, vm0, $0xb8;
	[tilespmem:$0x18A00] =	vst v63  }
0x84: {  	_ = 	snop  }
0x85: {  	[tilespmem:s12], [sflag:$0x1] =	stream.indirect_vreg.gather [hbm4b:s5+s3], $0x80, v4, vm1, $0xb8;
	[tilespmem:$0x18A00] =	vst v63  }
0x86: {  	v4 =	vld [tilespmem:$0x820];
	_ =	sdelay $0x4  }
0x87: {  	v5 =	vshrl.u32 v4, $0x3  }
0x88: {  	v5 =	vmul.u32 $0x18, v5  }
0x89: {  	v4 =	vand.u32 $0x7, v4  }
0x8a: {  	v4 =	vor.u32 v4, v5  }
0x8b: {  	v5 =	vperm.xlane v4, v1;
	_ =	sdelay $0x1  }
0x8c: {  	v5 =	vadd.s32 v2, v5;
	_ =	sdelay $0x1  }
0x8d: {  	v4 =	vperm.xlane v4, v3;
	_ =	sdelay $0x1  }
0x8e: {  	v4 =	vadd.s32 v2, v4  }
0x8f: {  	[tilespmem:s13], [sflag:$0x1] =	stream.indirect_vreg.gather [hbm4b:s1+s3], $0x80, v5, vm0, $0xb8;
	[tilespmem:$0x18A00] =	vst v63  }
0x90: {  	_ = 	snop  }
0x91: {  	[tilespmem:s14], [sflag:$0x1] =	stream.indirect_vreg.gather [hbm4b:s5+s3], $0x80, v5, vm1, $0xb8;
	[tilespmem:$0x18A00] =	vst v63  }
0x92: {  	_ = 	snop  }
0x93: {  	[tilespmem:s15], [sflag:$0x1] =	stream.indirect_vreg.gather [hbm4b:s1+s3], $0x80, v4, vm0, $0xb8;
	[tilespmem:$0x18A00] =	vst v63  }
0x94: {  	_ = 	snop  }
0x95: {  	[tilespmem:s18], [sflag:$0x1] =	stream.indirect_vreg.gather [hbm4b:s5+s3], $0x80, v4, vm1, $0xb8;
	[tilespmem:$0x18A00] =	vst v63  }
0x96: {  	v4 =	vld [tilespmem:$0x830];
	_ =	sdelay $0x4  }
0x97: {  	v5 =	vshrl.u32 v4, $0x3  }
0x98: {  	v5 =	vmul.u32 $0x18, v5  }
0x99: {  	v4 =	vand.u32 $0x7, v4  }
0x9a: {  	v4 =	vor.u32 v4, v5  }
0x9b: {  	v5 =	vperm.xlane v4, v1;
	_ =	sdelay $0x1  }
0x9c: {  	v5 =	vadd.s32 v2, v5;
	_ =	sdelay $0x1  }
0x9d: {  	v4 =	vperm.xlane v4, v3;
	_ =	sdelay $0x1  }
0x9e: {  	v4 =	vadd.s32 v2, v4  }
0x9f: {  	[tilespmem:s19], [sflag:$0x1] =	stream.indirect_vreg.gather [hbm4b:s1+s3], $0x80, v5, vm0, $0xb8;
	[tilespmem:$0x18A00] =	vst v63  }
0xa0: {  	_ = 	snop  }
0xa1: {  	[tilespmem:s20], [sflag:$0x1] =	stream.indirect_vreg.gather [hbm4b:s5+s3], $0x80, v5, vm1, $0xb8;
	[tilespmem:$0x18A00] =	vst v63  }
0xa2: {  	_ = 	snop  }
0xa3: {  	[tilespmem:s21], [sflag:$0x1] =	stream.indirect_vreg.gather [hbm4b:s1+s3], $0x80, v4, vm0, $0xb8;
	[tilespmem:$0x18A00] =	vst v63  }
0xa4: {  	_ = 	snop  }
0xa5: {  	[tilespmem:s22], [sflag:$0x1] =	stream.indirect_vreg.gather [hbm4b:s5+s3], $0x80, v4, vm1, $0xb8;
	[tilespmem:$0x18A00] =	vst v63  }
0xa6: {  	v4 =	vld [tilespmem:$0x840];
	_ =	sdelay $0x4  }
0xa7: {  	v5 =	vshrl.u32 v4, $0x3  }
0xa8: {  	v5 =	vmul.u32 $0x18, v5  }
0xa9: {  	v4 =	vand.u32 $0x7, v4  }
0xaa: {  	v4 =	vor.u32 v4, v5  }
0xab: {  	v5 =	vperm.xlane v4, v1;
	_ =	sdelay $0x1  }
0xac: {  	v5 =	vadd.s32 v2, v5;
	_ =	sdelay $0x1  }
0xad: {  	v4 =	vperm.xlane v4, v3;
	_ =	sdelay $0x1  }
0xae: {  	v4 =	vadd.s32 v2, v4  }
0xaf: {  	[tilespmem:s23], [sflag:$0x1] =	stream.indirect_vreg.gather [hbm4b:s1+s3], $0x80, v5, vm0, $0xb8;
	[tilespmem:$0x18A00] =	vst v63  }
0xb0: {  	_ = 	snop  }
0xb1: {  	[tilespmem:s24], [sflag:$0x1] =	stream.indirect_vreg.gather [hbm4b:s5+s3], $0x80, v5, vm1, $0xb8;
	[tilespmem:$0x18A00] =	vst v63  }
0xb2: {  	_ = 	snop  }
0xb3: {  	[tilespmem:s25], [sflag:$0x1] =	stream.indirect_vreg.gather [hbm4b:s1+s3], $0x80, v4, vm0, $0xb8;
	[tilespmem:$0x18A00] =	vst v63  }
0xb4: {  	_ = 	snop  }
0xb5: {  	[tilespmem:s26], [sflag:$0x1] =	stream.indirect_vreg.gather [hbm4b:s5+s3], $0x80, v4, vm1, $0xb8;
	[tilespmem:$0x18A00] =	vst v63  }
0xb6: {  	v4 =	vld [tilespmem:$0x850];
	_ =	sdelay $0x4  }
0xb7: {  	v5 =	vshrl.u32 v4, $0x3  }
0xb8: {  	v5 =	vmul.u32 $0x18, v5  }
0xb9: {  	v4 =	vand.u32 $0x7, v4  }
0xba: {  	v4 =	vor.u32 v4, v5  }
0xbb: {  	v5 =	vperm.xlane v4, v1;
	_ =	sdelay $0x1  }
0xbc: {  	v5 =	vadd.s32 v2, v5;
	_ =	sdelay $0x1  }
0xbd: {  	v4 =	vperm.xlane v4, v3;
	_ =	sdelay $0x1  }
0xbe: {  	s7 =	simm.s32 $0x8200;
	v4 =	vadd.s32 v2, v4  }
0xbf: {  	[tilespmem:s7], [sflag:$0x1] =	stream.indirect_vreg.gather [hbm4b:s1+s3], $0x80, v5, vm0, $0xb8;
	[tilespmem:$0x18A00] =	vst v63  }
0xc0: {  	s8 =	simm.s32 $0x8A00  }
0xc1: {  	[tilespmem:s8], [sflag:$0x1] =	stream.indirect_vreg.gather [hbm4b:s5+s3], $0x80, v5, vm1, $0xb8;
	[tilespmem:$0x18A00] =	vst v63  }
0xc2: {  	_ = 	snop  }
0xc3: {  	[tilespmem:s28], [sflag:$0x1] =	stream.indirect_vreg.gather [hbm4b:s1+s3], $0x80, v4, vm0, $0xb8;
	[tilespmem:$0x18A00] =	vst v63  }
0xc4: {  	_ = 	snop  }
0xc5: {  	[tilespmem:s29], [sflag:$0x1] =	stream.indirect_vreg.gather [hbm4b:s5+s3], $0x80, v4, vm1, $0xb8;
	[tilespmem:$0x18A00] =	vst v63  }
0xc6: {  	v4 =	vld [tilespmem:$0x860];
	_ =	sdelay $0x4  }
0xc7: {  	v5 =	vshrl.u32 v4, $0x3  }
0xc8: {  	v5 =	vmul.u32 $0x18, v5  }
0xc9: {  	v4 =	vand.u32 $0x7, v4  }
0xca: {  	v4 =	vor.u32 v4, v5  }
0xcb: {  	v5 =	vperm.xlane v4, v1;
	_ =	sdelay $0x1  }
0xcc: {  	v5 =	vadd.s32 v2, v5;
	_ =	sdelay $0x1  }
0xcd: {  	v4 =	vperm.xlane v4, v3;
	_ =	sdelay $0x1  }
0xce: {  	s30 =	simm.s32 $0x9A00;
	v4 =	vadd.s32 v2, v4  }
0xcf: {  	[tilespmem:s30], [sflag:$0x1] =	stream.indirect_vreg.gather [hbm4b:s1+s3], $0x80, v5, vm0, $0xb8;
	[tilespmem:$0x18A00] =	vst v63  }
0xd0: {  	s30 =	simm.s32 $0xA200  }
0xd1: {  	[tilespmem:s30], [sflag:$0x1] =	stream.indirect_vreg.gather [hbm4b:s5+s3], $0x80, v5, vm1, $0xb8;
	[tilespmem:$0x18A00] =	vst v63  }
0xd2: {  	s30 =	simm.s32 $0xA600  }
0xd3: {  	[tilespmem:s30], [sflag:$0x1] =	stream.indirect_vreg.gather [hbm4b:s1+s3], $0x80, v4, vm0, $0xb8;
	[tilespmem:$0x18A00] =	vst v63  }
0xd4: {  	s30 =	simm.s32 $0xAE00  }
0xd5: {  	[tilespmem:s30], [sflag:$0x1] =	stream.indirect_vreg.gather [hbm4b:s5+s3], $0x80, v4, vm1, $0xb8;
	[tilespmem:$0x18A00] =	vst v63  }
0xd6: {  	v4 =	vld [tilespmem:$0x870];
	_ =	sdelay $0x4  }
0xd7: {  	v5 =	vshrl.u32 v4, $0x3  }
0xd8: {  	v5 =	vmul.u32 $0x18, v5  }
0xd9: {  	v4 =	vand.u32 $0x7, v4  }
0xda: {  	v4 =	vor.u32 v4, v5  }
0xdb: {  	v5 =	vperm.xlane v4, v1;
	_ =	sdelay $0x1  }
0xdc: {  	v5 =	vadd.s32 v2, v5;
	_ =	sdelay $0x1  }
0xdd: {  	v4 =	vperm.xlane v4, v3;
	_ =	sdelay $0x1  }
0xde: {  	s30 =	simm.s32 $0xB200;
	v4 =	vadd.s32 v2, v4  }
0xdf: {  	[tilespmem:s30], [sflag:$0x1] =	stream.indirect_vreg.gather [hbm4b:s1+s3], $0x80, v5, vm0, $0xb8;
	[tilespmem:$0x18A00] =	vst v63  }
0xe0: {  	s30 =	simm.s32 $0xBA00  }
0xe1: {  	[tilespmem:s30], [sflag:$0x1] =	stream.indirect_vreg.gather [hbm4b:s5+s3], $0x80, v5, vm1, $0xb8;
	[tilespmem:$0x18A00] =	vst v63  }
0xe2: {  	s30 =	simm.s32 $0xBE00  }
0xe3: {  	[tilespmem:s30], [sflag:$0x1] =	stream.indirect_vreg.gather [hbm4b:s1+s3], $0x80, v4, vm0, $0xb8;
	[tilespmem:$0x18A00] =	vst v63  }
0xe4: {  	s30 =	simm.s32 $0xC600  }
0xe5: {  	[tilespmem:s30], [sflag:$0x1] =	stream.indirect_vreg.gather [hbm4b:s5+s3], $0x80, v4, vm1, $0xb8;
	[tilespmem:$0x18A00] =	vst v63  }
0xe6: {  	_ =	swait.ge [sflag:s16], $0xC000  }
0xe7: {  	[sflag:s16] =	ssyncset.done $0x0  }
0xe8: {  	s0 =	rddreg [dreg:$0x5];
	[sflag:s16] =	ssyncadd.s32 $0xFFFF4000  }
0xe9: {  	[hbm4b:s0+s3] =	stream.linear.scatter [tilespmem:s17], [sflag:$0x2], $0xC000, $0x38;
	[tilespmem:$0x18A00] =	vst v63  }
0xea: {  	v4 =	vld [tilespmem:$0x880];
	_ =	sdelay $0x4  }
0xeb: {  	v5 =	vshrl.u32 v4, $0x3  }
0xec: {  	v5 =	vmul.u32 $0x18, v5  }
0xed: {  	v4 =	vand.u32 $0x7, v4  }
0xee: {  	v4 =	vor.u32 v4, v5  }
0xef: {  	v5 =	vperm.xlane v4, v1;
	_ =	sdelay $0x1  }
0xf0: {  	v5 =	vadd.s32 v2, v5;
	_ =	sdelay $0x1  }
0xf1: {  	v4 =	vperm.xlane v4, v3;
	_ =	sdelay $0x1  }
0xf2: {  	v4 =	vadd.s32 v2, v4  }
0xf3: {  	[tilespmem:s2], [sflag:$0x1] =	stream.indirect_vreg.gather [hbm4b:s1+s3], $0x80, v5, vm0, $0xb8;
	[tilespmem:$0x18A00] =	vst v63  }
0xf4: {  	s30 =	simm.s32 $0xD200  }
0xf5: {  	[tilespmem:s30], [sflag:$0x1] =	stream.indirect_vreg.gather [hbm4b:s5+s3], $0x80, v5, vm1, $0xb8;
	[tilespmem:$0x18A00] =	vst v63  }
0xf6: {  	s30 =	simm.s32 $0xD600  }
0xf7: {  	[tilespmem:s30], [sflag:$0x1] =	stream.indirect_vreg.gather [hbm4b:s1+s3], $0x80, v4, vm0, $0xb8;
	[tilespmem:$0x18A00] =	vst v63  }
0xf8: {  	s30 =	simm.s32 $0xDE00  }
0xf9: {  	[tilespmem:s30], [sflag:$0x1] =	stream.indirect_vreg.gather [hbm4b:s5+s3], $0x80, v4, vm1, $0xb8;
	[tilespmem:$0x18A00] =	vst v63  }
0xfa: {  	v4 =	vld [tilespmem:$0x890];
	_ =	sdelay $0x4  }
0xfb: {  	v5 =	vshrl.u32 v4, $0x3  }
0xfc: {  	v5 =	vmul.u32 $0x18, v5  }
0xfd: {  	v4 =	vand.u32 $0x7, v4  }
0xfe: {  	v4 =	vor.u32 v4, v5  }
0xff: {  	v5 =	vperm.xlane v4, v1;
	_ =	sdelay $0x1  }
0x100: {  	v5 =	vadd.s32 v2, v5;
	_ =	sdelay $0x1  }
0x101: {  	v4 =	vperm.xlane v4, v3;
	_ =	sdelay $0x1  }
0x102: {  	s30 =	simm.s32 $0xE200;
	v4 =	vadd.s32 v2, v4  }
0x103: {  	[tilespmem:s30], [sflag:$0x1] =	stream.indirect_vreg.gather [hbm4b:s1+s3], $0x80, v5, vm0, $0xb8;
	[tilespmem:$0x18A00] =	vst v63  }
0x104: {  	s30 =	simm.s32 $0xEA00  }
0x105: {  	[tilespmem:s30], [sflag:$0x1] =	stream.indirect_vreg.gather [hbm4b:s5+s3], $0x80, v5, vm1, $0xb8;
	[tilespmem:$0x18A00] =	vst v63  }
0x106: {  	s30 =	simm.s32 $0xEE00  }
0x107: {  	[tilespmem:s30], [sflag:$0x1] =	stream.indirect_vreg.gather [hbm4b:s1+s3], $0x80, v4, vm0, $0xb8;
	[tilespmem:$0x18A00] =	vst v63  }
0x108: {  	s30 =	simm.s32 $0xF600  }
0x109: {  	[tilespmem:s30], [sflag:$0x1] =	stream.indirect_vreg.gather [hbm4b:s5+s3], $0x80, v4, vm1, $0xb8;
	[tilespmem:$0x18A00] =	vst v63  }
0x10a: {  	v4 =	vld [tilespmem:$0x8A0];
	_ =	sdelay $0x4  }
0x10b: {  	v5 =	vshrl.u32 v4, $0x3  }
0x10c: {  	v5 =	vmul.u32 $0x18, v5  }
0x10d: {  	v4 =	vand.u32 $0x7, v4  }
0x10e: {  	v4 =	vor.u32 v4, v5  }
0x10f: {  	v5 =	vperm.xlane v4, v1;
	_ =	sdelay $0x1  }
0x110: {  	v5 =	vadd.s32 v2, v5;
	_ =	sdelay $0x1  }
0x111: {  	v4 =	vperm.xlane v4, v3;
	_ =	sdelay $0x1  }
0x112: {  	s30 =	simm.s32 $0xFA00;
	v4 =	vadd.s32 v2, v4  }
0x113: {  	[tilespmem:s30], [sflag:$0x1] =	stream.indirect_vreg.gather [hbm4b:s1+s3], $0x80, v5, vm0, $0xb8;
	[tilespmem:$0x18A00] =	vst v63  }
0x114: {  	s30 =	simm.s32 $0x10200  }
0x115: {  	[tilespmem:s30], [sflag:$0x1] =	stream.indirect_vreg.gather [hbm4b:s5+s3], $0x80, v5, vm1, $0xb8;
	[tilespmem:$0x18A00] =	vst v63  }
0x116: {  	s30 =	simm.s32 $0x10600  }
0x117: {  	[tilespmem:s30], [sflag:$0x1] =	stream.indirect_vreg.gather [hbm4b:s1+s3], $0x80, v4, vm0, $0xb8;
	[tilespmem:$0x18A00] =	vst v63  }
0x118: {  	s30 =	simm.s32 $0x10E00  }
0x119: {  	[tilespmem:s30], [sflag:$0x1] =	stream.indirect_vreg.gather [hbm4b:s5+s3], $0x80, v4, vm1, $0xb8;
	[tilespmem:$0x18A00] =	vst v63  }
0x11a: {  	v4 =	vld [tilespmem:$0x8B0];
	_ =	sdelay $0x4  }
0x11b: {  	v5 =	vshrl.u32 v4, $0x3  }
0x11c: {  	v5 =	vmul.u32 $0x18, v5  }
0x11d: {  	v4 =	vand.u32 $0x7, v4  }
0x11e: {  	v4 =	vor.u32 v4, v5  }
0x11f: {  	v5 =	vperm.xlane v4, v1;
	_ =	sdelay $0x1  }
0x120: {  	v5 =	vadd.s32 v2, v5;
	_ =	sdelay $0x1  }
0x121: {  	v4 =	vperm.xlane v4, v3;
	_ =	sdelay $0x1  }
0x122: {  	s30 =	simm.s32 $0x11200;
	v4 =	vadd.s32 v2, v4  }
0x123: {  	[tilespmem:s30], [sflag:$0x1] =	stream.indirect_vreg.gather [hbm4b:s1+s3], $0x80, v5, vm0, $0xb8;
	[tilespmem:$0x18A00] =	vst v63  }
0x124: {  	s30 =	simm.s32 $0x11A00  }
0x125: {  	[tilespmem:s30], [sflag:$0x1] =	stream.indirect_vreg.gather [hbm4b:s5+s3], $0x80, v5, vm1, $0xb8;
	[tilespmem:$0x18A00] =	vst v63  }
0x126: {  	s30 =	simm.s32 $0x11E00  }
0x127: {  	[tilespmem:s30], [sflag:$0x1] =	stream.indirect_vreg.gather [hbm4b:s1+s3], $0x80, v4, vm0, $0xb8;
	[tilespmem:$0x18A00] =	vst v63  }
0x128: {  	s30 =	simm.s32 $0x12600  }
0x129: {  	[tilespmem:s30], [sflag:$0x1] =	stream.indirect_vreg.gather [hbm4b:s5+s3], $0x80, v4, vm1, $0xb8;
	[tilespmem:$0x18A00] =	vst v63  }
0x12a: {  	v4 =	vld [tilespmem:$0x8C0];
	_ =	sdelay $0x4  }
0x12b: {  	v5 =	vshrl.u32 v4, $0x3  }
0x12c: {  	v5 =	vmul.u32 $0x18, v5  }
0x12d: {  	v4 =	vand.u32 $0x7, v4  }
0x12e: {  	v4 =	vor.u32 v4, v5  }
0x12f: {  	v5 =	vperm.xlane v4, v1;
	_ =	sdelay $0x1  }
0x130: {  	v5 =	vadd.s32 v2, v5;
	_ =	sdelay $0x1  }
0x131: {  	v4 =	vperm.xlane v4, v3;
	_ =	sdelay $0x1  }
0x132: {  	s30 =	simm.s32 $0x12A00;
	v4 =	vadd.s32 v2, v4  }
0x133: {  	[tilespmem:s30], [sflag:$0x1] =	stream.indirect_vreg.gather [hbm4b:s1+s3], $0x80, v5, vm0, $0xb8;
	[tilespmem:$0x18A00] =	vst v63  }
0x134: {  	s30 =	simm.s32 $0x13200  }
0x135: {  	[tilespmem:s30], [sflag:$0x1] =	stream.indirect_vreg.gather [hbm4b:s5+s3], $0x80, v5, vm1, $0xb8;
	[tilespmem:$0x18A00] =	vst v63  }
0x136: {  	s30 =	simm.s32 $0x13600  }
0x137: {  	[tilespmem:s30], [sflag:$0x1] =	stream.indirect_vreg.gather [hbm4b:s1+s3], $0x80, v4, vm0, $0xb8;
	[tilespmem:$0x18A00] =	vst v63  }
0x138: {  	s30 =	simm.s32 $0x13E00  }
0x139: {  	[tilespmem:s30], [sflag:$0x1] =	stream.indirect_vreg.gather [hbm4b:s5+s3], $0x80, v4, vm1, $0xb8;
	[tilespmem:$0x18A00] =	vst v63  }
0x13a: {  	v4 =	vld [tilespmem:$0x8D0];
	_ =	sdelay $0x4  }
0x13b: {  	v5 =	vshrl.u32 v4, $0x3  }
0x13c: {  	v5 =	vmul.u32 $0x18, v5  }
0x13d: {  	v4 =	vand.u32 $0x7, v4  }
0x13e: {  	v4 =	vor.u32 v4, v5  }
0x13f: {  	v5 =	vperm.xlane v4, v1;
	_ =	sdelay $0x1  }
0x140: {  	v5 =	vadd.s32 v2, v5;
	_ =	sdelay $0x1  }
0x141: {  	v4 =	vperm.xlane v4, v3;
	_ =	sdelay $0x1  }
0x142: {  	s30 =	simm.s32 $0x14200;
	v4 =	vadd.s32 v2, v4  }
0x143: {  	[tilespmem:s30], [sflag:$0x1] =	stream.indirect_vreg.gather [hbm4b:s1+s3], $0x80, v5, vm0, $0xb8;
	[tilespmem:$0x18A00] =	vst v63  }
0x144: {  	s30 =	simm.s32 $0x14A00  }
0x145: {  	[tilespmem:s30], [sflag:$0x1] =	stream.indirect_vreg.gather [hbm4b:s5+s3], $0x80, v5, vm1, $0xb8;
	[tilespmem:$0x18A00] =	vst v63  }
0x146: {  	s30 =	simm.s32 $0x14E00  }
0x147: {  	[tilespmem:s30], [sflag:$0x1] =	stream.indirect_vreg.gather [hbm4b:s1+s3], $0x80, v4, vm0, $0xb8;
	[tilespmem:$0x18A00] =	vst v63  }
0x148: {  	s30 =	simm.s32 $0x15600  }
0x149: {  	[tilespmem:s30], [sflag:$0x1] =	stream.indirect_vreg.gather [hbm4b:s5+s3], $0x80, v4, vm1, $0xb8;
	[tilespmem:$0x18A00] =	vst v63  }
0x14a: {  	v4 =	vld [tilespmem:$0x8E0];
	_ =	sdelay $0x4  }
0x14b: {  	v5 =	vshrl.u32 v4, $0x3  }
0x14c: {  	v5 =	vmul.u32 $0x18, v5  }
0x14d: {  	v4 =	vand.u32 $0x7, v4  }
0x14e: {  	v4 =	vor.u32 v4, v5  }
0x14f: {  	v5 =	vperm.xlane v4, v1;
	_ =	sdelay $0x1  }
0x150: {  	v5 =	vadd.s32 v2, v5;
	_ =	sdelay $0x1  }
0x151: {  	v4 =	vperm.xlane v4, v3;
	_ =	sdelay $0x1  }
0x152: {  	s30 =	simm.s32 $0x15A00;
	v4 =	vadd.s32 v2, v4  }
0x153: {  	[tilespmem:s30], [sflag:$0x1] =	stream.indirect_vreg.gather [hbm4b:s1+s3], $0x80, v5, vm0, $0xb8;
	[tilespmem:$0x18A00] =	vst v63  }
0x154: {  	s30 =	simm.s32 $0x16200  }
0x155: {  	[tilespmem:s30], [sflag:$0x1] =	stream.indirect_vreg.gather [hbm4b:s5+s3], $0x80, v5, vm1, $0xb8;
	[tilespmem:$0x18A00] =	vst v63  }
0x156: {  	s30 =	simm.s32 $0x16600  }
0x157: {  	[tilespmem:s30], [sflag:$0x1] =	stream.indirect_vreg.gather [hbm4b:s1+s3], $0x80, v4, vm0, $0xb8;
	[tilespmem:$0x18A00] =	vst v63  }
0x158: {  	s30 =	simm.s32 $0x16E00  }
0x159: {  	[tilespmem:s30], [sflag:$0x1] =	stream.indirect_vreg.gather [hbm4b:s5+s3], $0x80, v4, vm1, $0xb8;
	[tilespmem:$0x18A00] =	vst v63  }
0x15a: {  	v4 =	vld [tilespmem:$0x8F0];
	_ =	sdelay $0x4  }
0x15b: {  	v5 =	vshrl.u32 v4, $0x3  }
0x15c: {  	v5 =	vmul.u32 $0x18, v5  }
0x15d: {  	v4 =	vand.u32 $0x7, v4  }
0x15e: {  	v4 =	vor.u32 v4, v5  }
0x15f: {  	v5 =	vperm.xlane v4, v1;
	_ =	sdelay $0x1  }
0x160: {  	v5 =	vadd.s32 v2, v5;
	_ =	sdelay $0x1  }
0x161: {  	v4 =	vperm.xlane v4, v3;
	_ =	sdelay $0x1  }
0x162: {  	s30 =	simm.s32 $0x17200;
	v4 =	vadd.s32 v2, v4  }
0x163: {  	[tilespmem:s30], [sflag:$0x1] =	stream.indirect_vreg.gather [hbm4b:s1+s3], $0x80, v5, vm0, $0xb8;
	[tilespmem:$0x18A00] =	vst v63  }
0x164: {  	s30 =	simm.s32 $0x17A00  }
0x165: {  	[tilespmem:s30], [sflag:$0x1] =	stream.indirect_vreg.gather [hbm4b:s5+s3], $0x80, v5, vm1, $0xb8;
	[tilespmem:$0x18A00] =	vst v63  }
0x166: {  	s30 =	simm.s32 $0x17E00  }
0x167: {  	[tilespmem:s30], [sflag:$0x1] =	stream.indirect_vreg.gather [hbm4b:s1+s3], $0x80, v4, vm0, $0xb8;
	[tilespmem:$0x18A00] =	vst v63  }
0x168: {  	s30 =	simm.s32 $0x18600  }
0x169: {  	[tilespmem:s30], [sflag:$0x1] =	stream.indirect_vreg.gather [hbm4b:s5+s3], $0x80, v4, vm1, $0xb8;
	[tilespmem:$0x18A00] =	vst v63  }
0x16a: {  	_ =	swait.ge [sflag:s16], $0xC000  }
0x16b: {  	[sflag:s16] =	ssyncset.done $0x0  }
0x16c: {  	s0 =	rddreg [dreg:$0x6];
	[sflag:s16] =	ssyncadd.s32 $0xFFFF4000  }
0x16d: {  	[hbm4b:s0+s3] =	stream.linear.scatter [tilespmem:s2], [sflag:$0x3], $0xC000, $0x38;
	[tilespmem:$0x18A00] =	vst v63  }
0x16e: {  	s0 =	simm.s32 $0x2  }
0x16f: {  	_ =	swait.ge [sflag:s0], $0xC000  }
0x170: {  	[sflag:s0] =	ssyncset.done $0x0  }
0x171: {  	[sflag:s0] =	ssyncadd.s32 $0xFFFF4000  }
0x172: {  	v4 =	vld [tilespmem:$0x900];
	_ =	sdelay $0x4  }
0x173: {  	v5 =	vshrl.u32 v4, $0x3  }
0x174: {  	v5 =	vmul.u32 $0x18, v5  }
0x175: {  	v4 =	vand.u32 $0x7, v4  }
0x176: {  	v4 =	vor.u32 v4, v5  }
0x177: {  	v5 =	vperm.xlane v4, v1;
	_ =	sdelay $0x1  }
0x178: {  	v5 =	vadd.s32 v2, v5;
	_ =	sdelay $0x1  }
0x179: {  	v4 =	vperm.xlane v4, v3;
	_ =	sdelay $0x1  }
0x17a: {  	v4 =	vadd.s32 v2, v4  }
0x17b: {  	[tilespmem:s17], [sflag:$0x1] =	stream.indirect_vreg.gather [hbm4b:s1+s3], $0x80, v5, vm0, $0xb8;
	[tilespmem:$0x18A00] =	vst v63  }
0x17c: {  	_ = 	snop  }
0x17d: {  	[tilespmem:s31], [sflag:$0x1] =	stream.indirect_vreg.gather [hbm4b:s5+s3], $0x80, v5, vm1, $0xb8;
	[tilespmem:$0x18A00] =	vst v63  }
0x17e: {  	s30 =	simm.s32 $0x1600  }
0x17f: {  	[tilespmem:s30], [sflag:$0x1] =	stream.indirect_vreg.gather [hbm4b:s1+s3], $0x80, v4, vm0, $0xb8;
	[tilespmem:$0x18A00] =	vst v63  }
0x180: {  	s30 =	simm.s32 $0x1E00  }
0x181: {  	[tilespmem:s30], [sflag:$0x1] =	stream.indirect_vreg.gather [hbm4b:s5+s3], $0x80, v4, vm1, $0xb8;
	[tilespmem:$0x18A00] =	vst v63  }
0x182: {  	v4 =	vld [tilespmem:$0x910];
	_ =	sdelay $0x4  }
0x183: {  	v5 =	vshrl.u32 v4, $0x3  }
0x184: {  	v5 =	vmul.u32 $0x18, v5  }
0x185: {  	v4 =	vand.u32 $0x7, v4  }
0x186: {  	v4 =	vor.u32 v4, v5  }
0x187: {  	v5 =	vperm.xlane v4, v1;
	_ =	sdelay $0x1  }
0x188: {  	v5 =	vadd.s32 v2, v5;
	_ =	sdelay $0x1  }
0x189: {  	v4 =	vperm.xlane v4, v3;
	_ =	sdelay $0x1  }
0x18a: {  	v4 =	vadd.s32 v2, v4  }
0x18b: {  	[tilespmem:s9], [sflag:$0x1] =	stream.indirect_vreg.gather [hbm4b:s1+s3], $0x80, v5, vm0, $0xb8;
	[tilespmem:$0x18A00] =	vst v63  }
0x18c: {  	_ = 	snop  }
0x18d: {  	[tilespmem:s10], [sflag:$0x1] =	stream.indirect_vreg.gather [hbm4b:s5+s3], $0x80, v5, vm1, $0xb8;
	[tilespmem:$0x18A00] =	vst v63  }
0x18e: {  	_ = 	snop  }
0x18f: {  	[tilespmem:s11], [sflag:$0x1] =	stream.indirect_vreg.gather [hbm4b:s1+s3], $0x80, v4, vm0, $0xb8;
	[tilespmem:$0x18A00] =	vst v63  }
0x190: {  	_ = 	snop  }
0x191: {  	[tilespmem:s12], [sflag:$0x1] =	stream.indirect_vreg.gather [hbm4b:s5+s3], $0x80, v4, vm1, $0xb8;
	[tilespmem:$0x18A00] =	vst v63  }
0x192: {  	v4 =	vld [tilespmem:$0x920];
	_ =	sdelay $0x4  }
0x193: {  	v5 =	vshrl.u32 v4, $0x3  }
0x194: {  	v5 =	vmul.u32 $0x18, v5  }
0x195: {  	v4 =	vand.u32 $0x7, v4  }
0x196: {  	v4 =	vor.u32 v4, v5  }
0x197: {  	v5 =	vperm.xlane v4, v1;
	_ =	sdelay $0x1  }
0x198: {  	v5 =	vadd.s32 v2, v5;
	_ =	sdelay $0x1  }
0x199: {  	v4 =	vperm.xlane v4, v3;
	_ =	sdelay $0x1  }
0x19a: {  	v4 =	vadd.s32 v2, v4  }
0x19b: {  	[tilespmem:s13], [sflag:$0x1] =	stream.indirect_vreg.gather [hbm4b:s1+s3], $0x80, v5, vm0, $0xb8;
	[tilespmem:$0x18A00] =	vst v63  }
0x19c: {  	_ = 	snop  }
0x19d: {  	[tilespmem:s14], [sflag:$0x1] =	stream.indirect_vreg.gather [hbm4b:s5+s3], $0x80, v5, vm1, $0xb8;
	[tilespmem:$0x18A00] =	vst v63  }
0x19e: {  	_ = 	snop  }
0x19f: {  	[tilespmem:s15], [sflag:$0x1] =	stream.indirect_vreg.gather [hbm4b:s1+s3], $0x80, v4, vm0, $0xb8;
	[tilespmem:$0x18A00] =	vst v63  }
0x1a0: {  	_ = 	snop  }
0x1a1: {  	[tilespmem:s18], [sflag:$0x1] =	stream.indirect_vreg.gather [hbm4b:s5+s3], $0x80, v4, vm1, $0xb8;
	[tilespmem:$0x18A00] =	vst v63  }
0x1a2: {  	v4 =	vld [tilespmem:$0x930];
	_ =	sdelay $0x4  }
0x1a3: {  	v5 =	vshrl.u32 v4, $0x3  }
0x1a4: {  	v5 =	vmul.u32 $0x18, v5  }
0x1a5: {  	v4 =	vand.u32 $0x7, v4  }
0x1a6: {  	v4 =	vor.u32 v4, v5  }
0x1a7: {  	v5 =	vperm.xlane v4, v1;
	_ =	sdelay $0x1  }
0x1a8: {  	v5 =	vadd.s32 v2, v5;
	_ =	sdelay $0x1  }
0x1a9: {  	v4 =	vperm.xlane v4, v3;
	_ =	sdelay $0x1  }
0x1aa: {  	v4 =	vadd.s32 v2, v4  }
0x1ab: {  	[tilespmem:s19], [sflag:$0x1] =	stream.indirect_vreg.gather [hbm4b:s1+s3], $0x80, v5, vm0, $0xb8;
	[tilespmem:$0x18A00] =	vst v63  }
0x1ac: {  	_ = 	snop  }
0x1ad: {  	[tilespmem:s20], [sflag:$0x1] =	stream.indirect_vreg.gather [hbm4b:s5+s3], $0x80, v5, vm1, $0xb8;
	[tilespmem:$0x18A00] =	vst v63  }
0x1ae: {  	_ = 	snop  }
0x1af: {  	[tilespmem:s21], [sflag:$0x1] =	stream.indirect_vreg.gather [hbm4b:s1+s3], $0x80, v4, vm0, $0xb8;
	[tilespmem:$0x18A00] =	vst v63  }
0x1b0: {  	_ = 	snop  }
0x1b1: {  	[tilespmem:s22], [sflag:$0x1] =	stream.indirect_vreg.gather [hbm4b:s5+s3], $0x80, v4, vm1, $0xb8;
	[tilespmem:$0x18A00] =	vst v63  }
0x1b2: {  	v4 =	vld [tilespmem:$0x940];
	_ =	sdelay $0x4  }
0x1b3: {  	v5 =	vshrl.u32 v4, $0x3  }
0x1b4: {  	v5 =	vmul.u32 $0x18, v5  }
0x1b5: {  	v4 =	vand.u32 $0x7, v4  }
0x1b6: {  	v4 =	vor.u32 v4, v5  }
0x1b7: {  	v5 =	vperm.xlane v4, v1;
	_ =	sdelay $0x1  }
0x1b8: {  	v5 =	vadd.s32 v2, v5;
	_ =	sdelay $0x1  }
0x1b9: {  	v4 =	vperm.xlane v4, v3;
	_ =	sdelay $0x1  }
0x1ba: {  	v4 =	vadd.s32 v2, v4  }
0x1bb: {  	[tilespmem:s23], [sflag:$0x1] =	stream.indirect_vreg.gather [hbm4b:s1+s3], $0x80, v5, vm0, $0xb8;
	[tilespmem:$0x18A00] =	vst v63  }
0x1bc: {  	_ = 	snop  }
0x1bd: {  	[tilespmem:s24], [sflag:$0x1] =	stream.indirect_vreg.gather [hbm4b:s5+s3], $0x80, v5, vm1, $0xb8;
	[tilespmem:$0x18A00] =	vst v63  }
0x1be: {  	_ = 	snop  }
0x1bf: {  	[tilespmem:s25], [sflag:$0x1] =	stream.indirect_vreg.gather [hbm4b:s1+s3], $0x80, v4, vm0, $0xb8;
	[tilespmem:$0x18A00] =	vst v63  }
0x1c0: {  	_ = 	snop  }
0x1c1: {  	[tilespmem:s26], [sflag:$0x1] =	stream.indirect_vreg.gather [hbm4b:s5+s3], $0x80, v4, vm1, $0xb8;
	[tilespmem:$0x18A00] =	vst v63  }
0x1c2: {  	v4 =	vld [tilespmem:$0x950];
	_ =	sdelay $0x4  }
0x1c3: {  	v5 =	vshrl.u32 v4, $0x3  }
0x1c4: {  	v5 =	vmul.u32 $0x18, v5  }
0x1c5: {  	v4 =	vand.u32 $0x7, v4  }
0x1c6: {  	v4 =	vor.u32 v4, v5  }
0x1c7: {  	v5 =	vperm.xlane v4, v1;
	_ =	sdelay $0x1  }
0x1c8: {  	v5 =	vadd.s32 v2, v5;
	_ =	sdelay $0x1  }
0x1c9: {  	v4 =	vperm.xlane v4, v3;
	_ =	sdelay $0x1  }
0x1ca: {  	v4 =	vadd.s32 v2, v4  }
0x1cb: {  	[tilespmem:s7], [sflag:$0x1] =	stream.indirect_vreg.gather [hbm4b:s1+s3], $0x80, v5, vm0, $0xb8;
	[tilespmem:$0x18A00] =	vst v63  }
0x1cc: {  	_ = 	snop  }
0x1cd: {  	[tilespmem:s8], [sflag:$0x1] =	stream.indirect_vreg.gather [hbm4b:s5+s3], $0x80, v5, vm1, $0xb8;
	[tilespmem:$0x18A00] =	vst v63  }
0x1ce: {  	_ = 	snop  }
0x1cf: {  	[tilespmem:s28], [sflag:$0x1] =	stream.indirect_vreg.gather [hbm4b:s1+s3], $0x80, v4, vm0, $0xb8;
	[tilespmem:$0x18A00] =	vst v63  }
0x1d0: {  	_ = 	snop  }
0x1d1: {  	[tilespmem:s29], [sflag:$0x1] =	stream.indirect_vreg.gather [hbm4b:s5+s3], $0x80, v4, vm1, $0xb8;
	[tilespmem:$0x18A00] =	vst v63  }
0x1d2: {  	v4 =	vld [tilespmem:$0x960];
	_ =	sdelay $0x4  }
0x1d3: {  	v5 =	vshrl.u32 v4, $0x3  }
0x1d4: {  	v5 =	vmul.u32 $0x18, v5  }
0x1d5: {  	v4 =	vand.u32 $0x7, v4  }
0x1d6: {  	v4 =	vor.u32 v4, v5  }
0x1d7: {  	v5 =	vperm.xlane v4, v1;
	_ =	sdelay $0x1  }
0x1d8: {  	v5 =	vadd.s32 v2, v5;
	_ =	sdelay $0x1  }
0x1d9: {  	v4 =	vperm.xlane v4, v3;
	_ =	sdelay $0x1  }
0x1da: {  	s8 =	simm.s32 $0x9A00;
	v4 =	vadd.s32 v2, v4  }
0x1db: {  	[tilespmem:s8], [sflag:$0x1] =	stream.indirect_vreg.gather [hbm4b:s1+s3], $0x80, v5, vm0, $0xb8;
	[tilespmem:$0x18A00] =	vst v63  }
0x1dc: {  	s30 =	simm.s32 $0xA200  }
0x1dd: {  	[tilespmem:s30], [sflag:$0x1] =	stream.indirect_vreg.gather [hbm4b:s5+s3], $0x80, v5, vm1, $0xb8;
	[tilespmem:$0x18A00] =	vst v63  }
0x1de: {  	s8 =	simm.s32 $0xA600  }
0x1df: {  	[tilespmem:s8], [sflag:$0x1] =	stream.indirect_vreg.gather [hbm4b:s1+s3], $0x80, v4, vm0, $0xb8;
	[tilespmem:$0x18A00] =	vst v63  }
0x1e0: {  	s30 =	simm.s32 $0xAE00  }
0x1e1: {  	[tilespmem:s30], [sflag:$0x1] =	stream.indirect_vreg.gather [hbm4b:s5+s3], $0x80, v4, vm1, $0xb8;
	[tilespmem:$0x18A00] =	vst v63  }
0x1e2: {  	v4 =	vld [tilespmem:$0x970];
	_ =	sdelay $0x4  }
0x1e3: {  	v5 =	vshrl.u32 v4, $0x3  }
0x1e4: {  	v5 =	vmul.u32 $0x18, v5  }
0x1e5: {  	v4 =	vand.u32 $0x7, v4  }
0x1e6: {  	v4 =	vor.u32 v4, v5  }
0x1e7: {  	v5 =	vperm.xlane v4, v1;
	_ =	sdelay $0x1  }
0x1e8: {  	v5 =	vadd.s32 v2, v5;
	_ =	sdelay $0x1  }
0x1e9: {  	v4 =	vperm.xlane v4, v3;
	_ =	sdelay $0x1  }
0x1ea: {  	s8 =	simm.s32 $0xB200;
	v4 =	vadd.s32 v2, v4  }
0x1eb: {  	[tilespmem:s8], [sflag:$0x1] =	stream.indirect_vreg.gather [hbm4b:s1+s3], $0x80, v5, vm0, $0xb8;
	[tilespmem:$0x18A00] =	vst v63  }
0x1ec: {  	s30 =	simm.s32 $0xBA00  }
0x1ed: {  	[tilespmem:s30], [sflag:$0x1] =	stream.indirect_vreg.gather [hbm4b:s5+s3], $0x80, v5, vm1, $0xb8;
	[tilespmem:$0x18A00] =	vst v63  }
0x1ee: {  	s8 =	simm.s32 $0xBE00  }
0x1ef: {  	[tilespmem:s8], [sflag:$0x1] =	stream.indirect_vreg.gather [hbm4b:s1+s3], $0x80, v4, vm0, $0xb8;
	[tilespmem:$0x18A00] =	vst v63  }
0x1f0: {  	s30 =	simm.s32 $0xC600  }
0x1f1: {  	[tilespmem:s30], [sflag:$0x1] =	stream.indirect_vreg.gather [hbm4b:s5+s3], $0x80, v4, vm1, $0xb8;
	[tilespmem:$0x18A00] =	vst v63  }
0x1f2: {  	_ =	swait.ge [sflag:s16], $0xC000  }
0x1f3: {  	[sflag:s16] =	ssyncset.done $0x0  }
0x1f4: {  	s7 =	simm.s32 $0x3;
	s8 =	rddreg [dreg:$0x7];
	[sflag:s16] =	ssyncadd.s32 $0xFFFF4000  }
0x1f5: {  	[hbm4b:s8+s3] =	stream.linear.scatter [tilespmem:s17], [sflag:$0x2], $0xC000, $0x38;
	[tilespmem:$0x18A00] =	vst v63  }
0x1f6: {  	_ =	swait.ge [sflag:s7], $0xC000  }
0x1f7: {  	[sflag:s7] =	ssyncset.done $0x0  }
0x1f8: {  	[sflag:s7] =	ssyncadd.s32 $0xFFFF4000  }
0x1f9: {  	v4 =	vld [tilespmem:$0x980];
	_ =	sdelay $0x4  }
0x1fa: {  	v5 =	vshrl.u32 v4, $0x3  }
0x1fb: {  	v5 =	vmul.u32 $0x18, v5  }
0x1fc: {  	v4 =	vand.u32 $0x7, v4  }
0x1fd: {  	v4 =	vor.u32 v4, v5  }
0x1fe: {  	v5 =	vperm.xlane v4, v1;
	_ =	sdelay $0x1  }
0x1ff: {  	v5 =	vadd.s32 v2, v5;
	_ =	sdelay $0x1  }
0x200: {  	v4 =	vperm.xlane v4, v3;
	_ =	sdelay $0x1  }
0x201: {  	v4 =	vadd.s32 v2, v4  }
0x202: {  	[tilespmem:s2], [sflag:$0x1] =	stream.indirect_vreg.gather [hbm4b:s1+s3], $0x80, v5, vm0, $0xb8;
	[tilespmem:$0x18A00] =	vst v63  }
0x203: {  	s30 =	simm.s32 $0xD200  }
0x204: {  	[tilespmem:s30], [sflag:$0x1] =	stream.indirect_vreg.gather [hbm4b:s5+s3], $0x80, v5, vm1, $0xb8;
	[tilespmem:$0x18A00] =	vst v63  }
0x205: {  	s30 =	simm.s32 $0xD600  }
0x206: {  	[tilespmem:s30], [sflag:$0x1] =	stream.indirect_vreg.gather [hbm4b:s1+s3], $0x80, v4, vm0, $0xb8;
	[tilespmem:$0x18A00] =	vst v63  }
0x207: {  	s30 =	simm.s32 $0xDE00  }
0x208: {  	[tilespmem:s30], [sflag:$0x1] =	stream.indirect_vreg.gather [hbm4b:s5+s3], $0x80, v4, vm1, $0xb8;
	[tilespmem:$0x18A00] =	vst v63  }
0x209: {  	v4 =	vld [tilespmem:$0x990];
	_ =	sdelay $0x4  }
0x20a: {  	v5 =	vshrl.u32 v4, $0x3  }
0x20b: {  	v5 =	vmul.u32 $0x18, v5  }
0x20c: {  	v4 =	vand.u32 $0x7, v4  }
0x20d: {  	v4 =	vor.u32 v4, v5  }
0x20e: {  	v5 =	vperm.xlane v4, v1;
	_ =	sdelay $0x1  }
0x20f: {  	v5 =	vadd.s32 v2, v5;
	_ =	sdelay $0x1  }
0x210: {  	v4 =	vperm.xlane v4, v3;
	_ =	sdelay $0x1  }
0x211: {  	s30 =	simm.s32 $0xE200;
	v4 =	vadd.s32 v2, v4  }
0x212: {  	[tilespmem:s30], [sflag:$0x1] =	stream.indirect_vreg.gather [hbm4b:s1+s3], $0x80, v5, vm0, $0xb8;
	[tilespmem:$0x18A00] =	vst v63  }
0x213: {  	s30 =	simm.s32 $0xEA00  }
0x214: {  	[tilespmem:s30], [sflag:$0x1] =	stream.indirect_vreg.gather [hbm4b:s5+s3], $0x80, v5, vm1, $0xb8;
	[tilespmem:$0x18A00] =	vst v63  }
0x215: {  	s30 =	simm.s32 $0xEE00  }
0x216: {  	[tilespmem:s30], [sflag:$0x1] =	stream.indirect_vreg.gather [hbm4b:s1+s3], $0x80, v4, vm0, $0xb8;
	[tilespmem:$0x18A00] =	vst v63  }
0x217: {  	s30 =	simm.s32 $0xF600  }
0x218: {  	[tilespmem:s30], [sflag:$0x1] =	stream.indirect_vreg.gather [hbm4b:s5+s3], $0x80, v4, vm1, $0xb8;
	[tilespmem:$0x18A00] =	vst v63  }
0x219: {  	v4 =	vld [tilespmem:$0x9A0];
	_ =	sdelay $0x4  }
0x21a: {  	v5 =	vshrl.u32 v4, $0x3  }
0x21b: {  	v5 =	vmul.u32 $0x18, v5  }
0x21c: {  	v4 =	vand.u32 $0x7, v4  }
0x21d: {  	v4 =	vor.u32 v4, v5  }
0x21e: {  	v5 =	vperm.xlane v4, v1;
	_ =	sdelay $0x1  }
0x21f: {  	v5 =	vadd.s32 v2, v5;
	_ =	sdelay $0x1  }
0x220: {  	v4 =	vperm.xlane v4, v3;
	_ =	sdelay $0x1  }
0x221: {  	s30 =	simm.s32 $0xFA00;
	v4 =	vadd.s32 v2, v4  }
0x222: {  	[tilespmem:s30], [sflag:$0x1] =	stream.indirect_vreg.gather [hbm4b:s1+s3], $0x80, v5, vm0, $0xb8;
	[tilespmem:$0x18A00] =	vst v63  }
0x223: {  	s30 =	simm.s32 $0x10200  }
0x224: {  	[tilespmem:s30], [sflag:$0x1] =	stream.indirect_vreg.gather [hbm4b:s5+s3], $0x80, v5, vm1, $0xb8;
	[tilespmem:$0x18A00] =	vst v63  }
0x225: {  	s30 =	simm.s32 $0x10600  }
0x226: {  	[tilespmem:s30], [sflag:$0x1] =	stream.indirect_vreg.gather [hbm4b:s1+s3], $0x80, v4, vm0, $0xb8;
	[tilespmem:$0x18A00] =	vst v63  }
0x227: {  	s30 =	simm.s32 $0x10E00  }
0x228: {  	[tilespmem:s30], [sflag:$0x1] =	stream.indirect_vreg.gather [hbm4b:s5+s3], $0x80, v4, vm1, $0xb8;
	[tilespmem:$0x18A00] =	vst v63  }
0x229: {  	v4 =	vld [tilespmem:$0x9B0];
	_ =	sdelay $0x4  }
0x22a: {  	v5 =	vshrl.u32 v4, $0x3  }
0x22b: {  	v5 =	vmul.u32 $0x18, v5  }
0x22c: {  	v4 =	vand.u32 $0x7, v4  }
0x22d: {  	v4 =	vor.u32 v4, v5  }
0x22e: {  	v5 =	vperm.xlane v4, v1;
	_ =	sdelay $0x1  }
0x22f: {  	v5 =	vadd.s32 v2, v5;
	_ =	sdelay $0x1  }
0x230: {  	v4 =	vperm.xlane v4, v3;
	_ =	sdelay $0x1  }
0x231: {  	s30 =	simm.s32 $0x11200;
	v4 =	vadd.s32 v2, v4  }
0x232: {  	[tilespmem:s30], [sflag:$0x1] =	stream.indirect_vreg.gather [hbm4b:s1+s3], $0x80, v5, vm0, $0xb8;
	[tilespmem:$0x18A00] =	vst v63  }
0x233: {  	s30 =	simm.s32 $0x11A00  }
0x234: {  	[tilespmem:s30], [sflag:$0x1] =	stream.indirect_vreg.gather [hbm4b:s5+s3], $0x80, v5, vm1, $0xb8;
	[tilespmem:$0x18A00] =	vst v63  }
0x235: {  	s30 =	simm.s32 $0x11E00  }
0x236: {  	[tilespmem:s30], [sflag:$0x1] =	stream.indirect_vreg.gather [hbm4b:s1+s3], $0x80, v4, vm0, $0xb8;
	[tilespmem:$0x18A00] =	vst v63  }
0x237: {  	s30 =	simm.s32 $0x12600  }
0x238: {  	[tilespmem:s30], [sflag:$0x1] =	stream.indirect_vreg.gather [hbm4b:s5+s3], $0x80, v4, vm1, $0xb8;
	[tilespmem:$0x18A00] =	vst v63  }
0x239: {  	v4 =	vld [tilespmem:$0x9C0];
	_ =	sdelay $0x4  }
0x23a: {  	v5 =	vshrl.u32 v4, $0x3  }
0x23b: {  	v5 =	vmul.u32 $0x18, v5  }
0x23c: {  	v4 =	vand.u32 $0x7, v4  }
0x23d: {  	v4 =	vor.u32 v4, v5  }
0x23e: {  	v5 =	vperm.xlane v4, v1;
	_ =	sdelay $0x1  }
0x23f: {  	v5 =	vadd.s32 v2, v5;
	_ =	sdelay $0x1  }
0x240: {  	v4 =	vperm.xlane v4, v3;
	_ =	sdelay $0x1  }
0x241: {  	s30 =	simm.s32 $0x12A00;
	v4 =	vadd.s32 v2, v4  }
0x242: {  	[tilespmem:s30], [sflag:$0x1] =	stream.indirect_vreg.gather [hbm4b:s1+s3], $0x80, v5, vm0, $0xb8;
	[tilespmem:$0x18A00] =	vst v63  }
0x243: {  	s30 =	simm.s32 $0x13200  }
0x244: {  	[tilespmem:s30], [sflag:$0x1] =	stream.indirect_vreg.gather [hbm4b:s5+s3], $0x80, v5, vm1, $0xb8;
	[tilespmem:$0x18A00] =	vst v63  }
0x245: {  	s30 =	simm.s32 $0x13600  }
0x246: {  	[tilespmem:s30], [sflag:$0x1] =	stream.indirect_vreg.gather [hbm4b:s1+s3], $0x80, v4, vm0, $0xb8;
	[tilespmem:$0x18A00] =	vst v63  }
0x247: {  	s30 =	simm.s32 $0x13E00  }
0x248: {  	[tilespmem:s30], [sflag:$0x1] =	stream.indirect_vreg.gather [hbm4b:s5+s3], $0x80, v4, vm1, $0xb8;
	[tilespmem:$0x18A00] =	vst v63  }
0x249: {  	v4 =	vld [tilespmem:$0x9D0];
	_ =	sdelay $0x4  }
0x24a: {  	v5 =	vshrl.u32 v4, $0x3  }
0x24b: {  	v5 =	vmul.u32 $0x18, v5  }
0x24c: {  	v4 =	vand.u32 $0x7, v4  }
0x24d: {  	v4 =	vor.u32 v4, v5  }
0x24e: {  	v5 =	vperm.xlane v4, v1;
	_ =	sdelay $0x1  }
0x24f: {  	v5 =	vadd.s32 v2, v5;
	_ =	sdelay $0x1  }
0x250: {  	v4 =	vperm.xlane v4, v3;
	_ =	sdelay $0x1  }
0x251: {  	s30 =	simm.s32 $0x14200;
	v4 =	vadd.s32 v2, v4  }
0x252: {  	[tilespmem:s30], [sflag:$0x1] =	stream.indirect_vreg.gather [hbm4b:s1+s3], $0x80, v5, vm0, $0xb8;
	[tilespmem:$0x18A00] =	vst v63  }
0x253: {  	s30 =	simm.s32 $0x14A00  }
0x254: {  	[tilespmem:s30], [sflag:$0x1] =	stream.indirect_vreg.gather [hbm4b:s5+s3], $0x80, v5, vm1, $0xb8;
	[tilespmem:$0x18A00] =	vst v63  }
0x255: {  	s30 =	simm.s32 $0x14E00  }
0x256: {  	[tilespmem:s30], [sflag:$0x1] =	stream.indirect_vreg.gather [hbm4b:s1+s3], $0x80, v4, vm0, $0xb8;
	[tilespmem:$0x18A00] =	vst v63  }
0x257: {  	s30 =	simm.s32 $0x15600  }
0x258: {  	[tilespmem:s30], [sflag:$0x1] =	stream.indirect_vreg.gather [hbm4b:s5+s3], $0x80, v4, vm1, $0xb8;
	[tilespmem:$0x18A00] =	vst v63  }
0x259: {  	v4 =	vld [tilespmem:$0x9E0];
	_ =	sdelay $0x4  }
0x25a: {  	v5 =	vshrl.u32 v4, $0x3  }
0x25b: {  	v5 =	vmul.u32 $0x18, v5  }
0x25c: {  	v4 =	vand.u32 $0x7, v4  }
0x25d: {  	v4 =	vor.u32 v4, v5  }
0x25e: {  	v5 =	vperm.xlane v4, v1;
	_ =	sdelay $0x1  }
0x25f: {  	v5 =	vadd.s32 v2, v5;
	_ =	sdelay $0x1  }
0x260: {  	v4 =	vperm.xlane v4, v3;
	_ =	sdelay $0x1  }
0x261: {  	s30 =	simm.s32 $0x15A00;
	v4 =	vadd.s32 v2, v4  }
0x262: {  	[tilespmem:s30], [sflag:$0x1] =	stream.indirect_vreg.gather [hbm4b:s1+s3], $0x80, v5, vm0, $0xb8;
	[tilespmem:$0x18A00] =	vst v63  }
0x263: {  	s30 =	simm.s32 $0x16200  }
0x264: {  	[tilespmem:s30], [sflag:$0x1] =	stream.indirect_vreg.gather [hbm4b:s5+s3], $0x80, v5, vm1, $0xb8;
	[tilespmem:$0x18A00] =	vst v63  }
0x265: {  	s30 =	simm.s32 $0x16600  }
0x266: {  	[tilespmem:s30], [sflag:$0x1] =	stream.indirect_vreg.gather [hbm4b:s1+s3], $0x80, v4, vm0, $0xb8;
	[tilespmem:$0x18A00] =	vst v63  }
0x267: {  	s30 =	simm.s32 $0x16E00  }
0x268: {  	[tilespmem:s30], [sflag:$0x1] =	stream.indirect_vreg.gather [hbm4b:s5+s3], $0x80, v4, vm1, $0xb8;
	[tilespmem:$0x18A00] =	vst v63  }
0x269: {  	v4 =	vld [tilespmem:$0x9F0];
	_ =	sdelay $0x4  }
0x26a: {  	v5 =	vshrl.u32 v4, $0x3  }
0x26b: {  	v5 =	vmul.u32 $0x18, v5  }
0x26c: {  	v4 =	vand.u32 $0x7, v4  }
0x26d: {  	v4 =	vor.u32 v4, v5  }
0x26e: {  	v5 =	vperm.xlane v4, v1;
	_ =	sdelay $0x1  }
0x26f: {  	v5 =	vadd.s32 v2, v5;
	_ =	sdelay $0x1  }
0x270: {  	v4 =	vperm.xlane v4, v3;
	_ =	sdelay $0x1  }
0x271: {  	s30 =	simm.s32 $0x17200;
	v4 =	vadd.s32 v2, v4  }
0x272: {  	[tilespmem:s30], [sflag:$0x1] =	stream.indirect_vreg.gather [hbm4b:s1+s3], $0x80, v5, vm0, $0xb8;
	[tilespmem:$0x18A00] =	vst v63  }
0x273: {  	s30 =	simm.s32 $0x17A00  }
0x274: {  	[tilespmem:s30], [sflag:$0x1] =	stream.indirect_vreg.gather [hbm4b:s5+s3], $0x80, v5, vm1, $0xb8;
	[tilespmem:$0x18A00] =	vst v63  }
0x275: {  	s30 =	simm.s32 $0x17E00  }
0x276: {  	[tilespmem:s30], [sflag:$0x1] =	stream.indirect_vreg.gather [hbm4b:s1+s3], $0x80, v4, vm0, $0xb8;
	[tilespmem:$0x18A00] =	vst v63  }
0x277: {  	s30 =	simm.s32 $0x18600  }
0x278: {  	[tilespmem:s30], [sflag:$0x1] =	stream.indirect_vreg.gather [hbm4b:s5+s3], $0x80, v4, vm1, $0xb8;
	[tilespmem:$0x18A00] =	vst v63  }
0x279: {  	_ =	swait.ge [sflag:s16], $0xC000  }
0x27a: {  	[sflag:s16] =	ssyncset.done $0x0  }
0x27b: {  	s8 =	rddreg [dreg:$0x8];
	[sflag:s16] =	ssyncadd.s32 $0xFFFF4000  }
0x27c: {  	[hbm4b:s8+s3] =	stream.linear.scatter [tilespmem:s2], [sflag:$0x3], $0xC000, $0x38;
	[tilespmem:$0x18A00] =	vst v63  }
0x27d: {  	p0 =	sne.s32 s6, $0x1;
	_ =	swait.ge [sflag:s0], $0xC000  }
.Ltmp0:
0x27e: {  	[sflag:s0] =	ssyncset.done $0x0;
	(pc) =	sbr.rel @p0 .LBB2_1-.Ltmp0, $4  }
0x27f: {  	[sflag:s0] =	ssyncadd.s32 $0xFFFF4000  }
0x280: {  	_ =	swait.ge [sflag:s7], $0xC000  }
0x281: {  	[sflag:s7] =	ssyncset.done $0x0  }
0x282: {  	s6 =	sadd.s32 $0xFFFFFFFF, s6;
	[sflag:s7] =	ssyncadd.s32 $0xFFFF4000  }
0x283: {  	_ =	sfence.sel $0x180000  }
0x284: {  	[bflag:$0x0] =	sbarrier.arrive $0xFFFF  }
0x285: {  	_ =	strace $0x90000047  }
0x286: {  	s0 =	stileid.u32;
	[bflag:$0x2] =	sbarrier.arrive $0xFFFF  }
0x287: {  	p0 =	sne.s32 s0, $0x0;
	s0 =	rddreg [dreg:$0x3]  }
0x288: {  	s0 =	sadd.s32 @!p0 $0x100000, s0  }
0x289: {  	[sflag:s0] =	ssyncadd.tile.s32 @!p0 $0x1;
	_ =	shalt  }
.Lfunc_end2:
_tile_overlayer_lowered:
.L_overlay_start_2:
0x28a: {  	(tag) =	ssettag $0x2  }
0x28b: {  	s0 =	rddreg [dreg:$0x0];
	s2 =	stileid.u32  }
0x28c: {  	s1 =	rddreg [dreg:$0x1];
	p0 =	sne.s32 s2, $0x0  }
0x28d: {  	s3 =	rddreg [dreg:$0x2];
	[bflag:$0x3] =	sbarrier.arrive $0xFFFF;
	s2 =	simm.s32 @!p0 $0x1C04  }
0x28e: {  	[timem:s3], [sflag:s2] =	dma.local @!p0 [hbm:s0], s1  }
0x28f: {  	s0 =	simm.s32 @!p0 $0x4  }
0x290: {  	_ =	swait.ge @!p0 [sflag:s0], s1  }
0x291: {  	s1 =	ssub.s32 @!p0 $0x0, s1;
	[sflag:s0] =	ssyncset.done @!p0 $0x0  }
0x292: {  	[sflag:s0] =	ssyncadd.s32 @!p0 s1  }
0x293: {  	[bflag:$0x3] =	sbarrier.arrive $0xFFFF  }
0x294: {  	_ =	shalt  }

</sc_bundles>
